<compile_context>
chip_gen: v7x
topology: tpu7x:2x2x1
jax: 0.10.2.dev20260603
libtpu: 0.0.44.dev20260713+nightly
codegen_flags: <defaults>
</compile_context>

<pallas_src>
import functools

import jax
import jax.numpy as jnp
from jax import lax
from jax.experimental import pallas as pl
from jax.experimental.pallas import tpu as pltpu
from jax.experimental.pallas import tpu_sc as plsc

_D = 1024
_NC, _NS = 2, 16
_NW = _NC * _NS
_CHUNK = 16
_NSLOT = 4


def _make_gather(n_rows: int):
  b_per_w = n_rows // _NW
  n_chunks = b_per_w // _CHUNK
  assert n_chunks % _NSLOT == 0 and n_chunks >= _NSLOT
  mesh = plsc.VectorSubcoreMesh(core_axis_name="c", subcore_axis_name="s")

  @functools.partial(
      pl.kernel,
      out_type=jax.ShapeDtypeStruct((n_rows, _D), jnp.float32),
      mesh=mesh,
      scratch_types=[
          pltpu.VMEM((b_per_w,), jnp.int32),
          pltpu.VMEM((_NSLOT, _CHUNK, _D), jnp.float32),
          [pltpu.SemaphoreType.DMA] * _NSLOT,
          [pltpu.SemaphoreType.DMA] * _NSLOT,
      ],
  )
  def gather_kernel(table_hbm, idx_hbm, out_hbm, idx_v, rows_v, gsem, ssem):
    wid = lax.axis_index("s") * _NC + lax.axis_index("c")
    base = wid * b_per_w
    pltpu.sync_copy(idx_hbm.at[pl.ds(base, b_per_w)], idx_v)

    def gather_start(c, slot):
      pltpu.async_copy(
          table_hbm.at[idx_v.at[pl.ds(c * _CHUNK, _CHUNK)]],
          rows_v.at[slot], gsem[slot])

    def gather_wait(slot):
      pltpu.make_async_copy(
          table_hbm.at[idx_v.at[pl.ds(0, _CHUNK)]],
          rows_v.at[slot], gsem[slot]).wait()

    def scatter_start(c, slot):
      pltpu.async_copy(
          rows_v.at[slot], out_hbm.at[pl.ds(base + c * _CHUNK, _CHUNK)],
          ssem[slot])

    def scatter_wait(slot):
      pltpu.make_async_copy(
          rows_v.at[slot], out_hbm.at[pl.ds(base, _CHUNK)], ssem[slot]).wait()

    for j in range(_NSLOT - 1):
      gather_start(j, j)

    @pl.loop(0, n_chunks, step=_NSLOT)
    def _body(c):
      for b in range(_NSLOT):
        cb = c + b
        g = cb + _NSLOT - 1
        gslot = (_NSLOT - 1 + b) % _NSLOT

        def _launch():
          scatter_wait(gslot)
          gather_start(g, gslot)

        if b == 0:
          @pl.when(c > 0)
          def _():
            _launch()
          @pl.when(c == 0)
          def _():
            gather_start(g, gslot)
        else:
          @pl.when(g < n_chunks)
          def _():
            _launch()
        gather_wait(b)
        scatter_start(cb, b)

    for j in range(_NSLOT):
      scatter_wait(j)

  return gather_kernel


def kernel(position_ids, positional_encoding):
  b, s = position_ids.shape
  flat_idx = position_ids.reshape(b * s).astype(jnp.int32)
  out = _make_gather(b * s)(positional_encoding, flat_idx)
  return out.reshape(b, s, positional_encoding.shape[1])

# --- scband reference (transcript-rebuilt; emitter-appended) ---
"""Pipeline reference for scband-learnable-positional-encoding-27659589386492 (READ-ONLY COPY).

The authoritative reference and input builder live on the scoring server;
editing this copy changes nothing except your own understanding.
"""

import jax, jax.numpy as jnp
import numpy as np

MAX_SEQ_LEN = 8192
EMBEDDING_DIM = 1024
BATCH = 4
SEQ_LEN = 8192


def setup_inputs(seed: int = 0) -> dict:
    key = jax.random.key(seed)
    k_idx, k_pe = jax.random.split(key)
    position_ids = jax.random.randint(k_idx, (BATCH, SEQ_LEN), 0, MAX_SEQ_LEN, dtype=jnp.int64 if jax.config.jax_enable_x64 else jnp.int32)
    positional_encoding = jax.random.normal(k_pe, (MAX_SEQ_LEN, EMBEDDING_DIM), dtype=jnp.float32)
    return {"position_ids": position_ids, "positional_encoding": positional_encoding}


def reference(position_ids, positional_encoding):
    # Gather rows of the learned positional table: pe[position_ids]
    out = jnp.take(positional_encoding, position_ids, axis=0)
    # torch .squeeze(0): removes dim 0 only if it has size 1 (no-op here since batch=4)
    if out.shape[0] == 1:
        out = out[0]
    return out

if __name__ == "__main__":
    import jax
    _d = setup_inputs()
    print(jax.jit(kernel)(*tuple(_d.values())))

</pallas_src>

<mosaic_0001>
#map = affine_map<(d0, d1) -> (0, 0)>
#map1 = affine_map<(d0, d1) -> (0)>
module attributes {stable_mosaic.version = 14 : i64} {
  func.func @gather_kernel(%arg0: i32, %arg1: i32, %arg2: memref<8192x1024xf32, #tpu.memory_space<hbm>>, %arg3: memref<32768xi32, #tpu.memory_space<hbm>>, %arg4: memref<32768x1024xf32, #tpu.memory_space<hbm>>, %arg5: memref<1024xi32, #tpu.memory_space<vmem>>, %arg6: memref<4x16x1024xf32, #tpu.memory_space<vmem>>, %arg7: memref<!tpu.dma_semaphore, #tpu.memory_space<semaphore_mem>>, %arg8: memref<!tpu.dma_semaphore, #tpu.memory_space<semaphore_mem>>, %arg9: memref<!tpu.dma_semaphore, #tpu.memory_space<semaphore_mem>>, %arg10: memref<!tpu.dma_semaphore, #tpu.memory_space<semaphore_mem>>, %arg11: memref<!tpu.dma_semaphore, #tpu.memory_space<semaphore_mem>>, %arg12: memref<!tpu.dma_semaphore, #tpu.memory_space<semaphore_mem>>, %arg13: memref<!tpu.dma_semaphore, #tpu.memory_space<semaphore_mem>>, %arg14: memref<!tpu.dma_semaphore, #tpu.memory_space<semaphore_mem>>) attributes {dimension_semantics = [#tpu.dimension_semantics<core_parallel>, #tpu.dimension_semantics<subcore_parallel>], iteration_bounds = array<i64: 2, 16>, scalar_prefetch = 0 : i64, scratch_operands = 10 : i64, tpu.core_type = #tpu.core_type<sc_vector_subcore>, window_params = [{transform_indices = #map}, {transform_indices = #map1}, {transform_indices = #map}]} {
    %mul3A = arith.constant 2 : i32
    %mul3A_0 = arith.muli %arg1, %mul3A : i32
    %add3A = arith.addi %mul3A_0, %arg0 : i32
    %mul3A_1 = arith.constant 1024 : i32
    %mul3A_2 = arith.muli %add3A, %mul3A_1 : i32
    "tpu.region"() ({
      %run_scoped3A = tpu.sem_alloc : memref<!tpu.dma_semaphore, #tpu.memory_space<semaphore_mem>>
      %dma_start3A_87 = tpu.memref_slice %arg3[%mul3A_2] : memref<32768xi32, #tpu.memory_space<hbm>> -> memref<1024xi32, #tpu.memory_space<hbm>>
      %dma_start3A_88 = tpu.memref_slice %arg3[%mul3A_2] : memref<32768xi32, #tpu.memory_space<hbm>> -> memref<1024xi32, #tpu.memory_space<hbm>>
      tpu.enqueue_dma source(%dma_start3A_88 : memref<1024xi32, #tpu.memory_space<hbm>>) target(%arg5 : memref<1024xi32, #tpu.memory_space<vmem>>) target_semaphore(%run_scoped3A : memref<!tpu.dma_semaphore, #tpu.memory_space<semaphore_mem>>)
      %dma_wait3A_89 = tpu.memref_slice %arg3[%mul3A_2] : memref<32768xi32, #tpu.memory_space<hbm>> -> memref<1024xi32, #tpu.memory_space<hbm>>
      %dma_wait3A_90 = tpu.memref_slice %arg3[%mul3A_2] : memref<32768xi32, #tpu.memory_space<hbm>> -> memref<1024xi32, #tpu.memory_space<hbm>>
      tpu.wait_dma2 semaphore(%run_scoped3A : memref<!tpu.dma_semaphore, #tpu.memory_space<semaphore_mem>>) src(%dma_wait3A_90 : memref<1024xi32, #tpu.memory_space<hbm>>) dst(%arg5 : memref<1024xi32, #tpu.memory_space<vmem>>)
      tpu.yield
    }) : () -> ()
    %dma_start3A = arith.constant 0 : i32
    %dma_start3A_3 = arith.constant 0 : i32
    %dma_start3A_4 = arith.constant 0 : i32
    %dma_start3A_5 = tpu.memref_slice %arg6[%dma_start3A, %dma_start3A_3, %dma_start3A_4] : memref<4x16x1024xf32, #tpu.memory_space<vmem>> -> memref<1x16x1024xf32, #tpu.memory_space<vmem>>
    %dma_start3A_6 = tpu.memref_squeeze %dma_start3A_5 : memref<1x16x1024xf32, #tpu.memory_space<vmem>> -> memref<16x1024xf32, #tpu.memory_space<vmem>>
    %dma_start3A_7 = arith.constant 0 : i32
    %dma_start3A_8 = tpu.memref_slice %arg5[%dma_start3A_7] : memref<1024xi32, #tpu.memory_space<vmem>> -> memref<16xi32, #tpu.memory_space<vmem>>
    %dma_start3A_9 = arith.constant 0 : i32
    %dma_start3A_10 = arith.constant 0 : i32
    %dma_start3A_11 = tpu.memref_slice %arg2[%dma_start3A_9, %dma_start3A_10] : memref<8192x1024xf32, #tpu.memory_space<hbm>> -> memref<8192x1024xf32, #tpu.memory_space<hbm>>
    tpu.enqueue_indirect_dma source(%dma_start3A_11 : memref<8192x1024xf32, #tpu.memory_space<hbm>>) target(%dma_start3A_6 : memref<16x1024xf32, #tpu.memory_space<vmem>>) offsets(%dma_start3A_8 : memref<16xi32, #tpu.memory_space<vmem>>) semaphore(%arg7 : memref<!tpu.dma_semaphore, #tpu.memory_space<semaphore_mem>>)
    %dma_start3A_12 = arith.constant 1 : i32
    %dma_start3A_13 = arith.constant 0 : i32
    %dma_start3A_14 = arith.constant 0 : i32
    %dma_start3A_15 = tpu.memref_slice %arg6[%dma_start3A_12, %dma_start3A_13, %dma_start3A_14] : memref<4x16x1024xf32, #tpu.memory_space<vmem>> -> memref<1x16x1024xf32, #tpu.memory_space<vmem>>
    %dma_start3A_16 = tpu.memref_squeeze %dma_start3A_15 : memref<1x16x1024xf32, #tpu.memory_space<vmem>> -> memref<16x1024xf32, #tpu.memory_space<vmem>>
    %dma_start3A_17 = arith.constant 16 : i32
    %dma_start3A_18 = tpu.memref_slice %arg5[%dma_start3A_17] : memref<1024xi32, #tpu.memory_space<vmem>> -> memref<16xi32, #tpu.memory_space<vmem>>
    %dma_start3A_19 = arith.constant 0 : i32
    %dma_start3A_20 = arith.constant 0 : i32
    %dma_start3A_21 = tpu.memref_slice %arg2[%dma_start3A_19, %dma_start3A_20] : memref<8192x1024xf32, #tpu.memory_space<hbm>> -> memref<8192x1024xf32, #tpu.memory_space<hbm>>
    tpu.enqueue_indirect_dma source(%dma_start3A_21 : memref<8192x1024xf32, #tpu.memory_space<hbm>>) target(%dma_start3A_16 : memref<16x1024xf32, #tpu.memory_space<vmem>>) offsets(%dma_start3A_18 : memref<16xi32, #tpu.memory_space<vmem>>) semaphore(%arg8 : memref<!tpu.dma_semaphore, #tpu.memory_space<semaphore_mem>>)
    %dma_start3A_22 = arith.constant 2 : i32
    %dma_start3A_23 = arith.constant 0 : i32
    %dma_start3A_24 = arith.constant 0 : i32
    %dma_start3A_25 = tpu.memref_slice %arg6[%dma_start3A_22, %dma_start3A_23, %dma_start3A_24] : memref<4x16x1024xf32, #tpu.memory_space<vmem>> -> memref<1x16x1024xf32, #tpu.memory_space<vmem>>
    %dma_start3A_26 = tpu.memref_squeeze %dma_start3A_25 : memref<1x16x1024xf32, #tpu.memory_space<vmem>> -> memref<16x1024xf32, #tpu.memory_space<vmem>>
    %dma_start3A_27 = arith.constant 32 : i32
    %dma_start3A_28 = tpu.memref_slice %arg5[%dma_start3A_27] : memref<1024xi32, #tpu.memory_space<vmem>> -> memref<16xi32, #tpu.memory_space<vmem>>
    %dma_start3A_29 = arith.constant 0 : i32
    %dma_start3A_30 = arith.constant 0 : i32
    %dma_start3A_31 = tpu.memref_slice %arg2[%dma_start3A_29, %dma_start3A_30] : memref<8192x1024xf32, #tpu.memory_space<hbm>> -> memref<8192x1024xf32, #tpu.memory_space<hbm>>
    tpu.enqueue_indirect_dma source(%dma_start3A_31 : memref<8192x1024xf32, #tpu.memory_space<hbm>>) target(%dma_start3A_26 : memref<16x1024xf32, #tpu.memory_space<vmem>>) offsets(%dma_start3A_28 : memref<16xi32, #tpu.memory_space<vmem>>) semaphore(%arg9 : memref<!tpu.dma_semaphore, #tpu.memory_space<semaphore_mem>>)
    %scan3A = arith.constant 0 : i32
    %scan3A_32 = arith.constant 16 : i32
    %scan3A_33 = arith.addi %scan3A, %scan3A_32 : i32
    %scan3A_34 = arith.constant 1 : i32
    scf.for %scan3A_87 = %scan3A to %scan3A_33 step %scan3A_34  : i32 {
      %mul3A_88 = arith.constant 4 : i32
      %mul3A_89 = arith.muli %scan3A_87, %mul3A_88 : i32
      %add3A_90 = arith.constant 0 : i32
      %add3A_91 = arith.addi %add3A_90, %mul3A_89 : i32
      %add3A_92 = arith.constant 0 : i32
      %add3A_93 = arith.addi %add3A_91, %add3A_92 : i32
      %add3A_94 = arith.constant 4 : i32
      %add3A_95 = arith.addi %add3A_93, %add3A_94 : i32
      %sub3A = arith.constant 1 : i32
      %sub3A_96 = arith.subi %add3A_95, %sub3A : i32
      %gt3A = arith.constant 0 : i32
      %gt3A_97 = arith.cmpi sgt, %add3A_91, %gt3A : i32
      %convert_element_type3A = arith.extui %gt3A_97 : i1 to i32
      %cond3A = arith.constant 0 : i32
      %cond3A_98 = arith.cmpi ne, %convert_element_type3A, %cond3A : i32
      scf.if %cond3A_98 {
        %dma_wait3A_239 = arith.constant 3 : i32
        %dma_wait3A_240 = arith.constant 0 : i32
        %dma_wait3A_241 = arith.constant 0 : i32
        %dma_wait3A_242 = tpu.memref_slice %arg6[%dma_wait3A_239, %dma_wait3A_240, %dma_wait3A_241] : memref<4x16x1024xf32, #tpu.memory_space<vmem>> -> memref<1x16x1024xf32, #tpu.memory_space<vmem>>
        %dma_wait3A_243 = tpu.memref_squeeze %dma_wait3A_242 : memref<1x16x1024xf32, #tpu.memory_space<vmem>> -> memref<16x1024xf32, #tpu.memory_space<vmem>>
        %dma_wait3A_244 = arith.constant 0 : i32
        %dma_wait3A_245 = tpu.memref_slice %arg4[%mul3A_2, %dma_wait3A_244] : memref<32768x1024xf32, #tpu.memory_space<hbm>> -> memref<16x1024xf32, #tpu.memory_space<hbm>>
        %dma_wait3A_246 = arith.constant 0 : i32
        %dma_wait3A_247 = tpu.memref_slice %arg4[%mul3A_2, %dma_wait3A_246] : memref<32768x1024xf32, #tpu.memory_space<hbm>> -> memref<16x1024xf32, #tpu.memory_space<hbm>>
        %dma_wait3A_248 = arith.constant 0 : i32
        %dma_wait3A_249 = arith.constant 0 : i32
        %dma_wait3A_250 = tpu.memref_slice %arg6[%dma_wait3A_239, %dma_wait3A_248, %dma_wait3A_249] : memref<4x16x1024xf32, #tpu.memory_space<vmem>> -> memref<1x16x1024xf32, #tpu.memory_space<vmem>>
        %dma_wait3A_251 = tpu.memref_squeeze %dma_wait3A_250 : memref<1x16x1024xf32, #tpu.memory_space<vmem>> -> memref<16x1024xf32, #tpu.memory_space<vmem>>
        tpu.wait_dma2 semaphore(%arg14 : memref<!tpu.dma_semaphore, #tpu.memory_space<semaphore_mem>>) src(%dma_wait3A_251 : memref<16x1024xf32, #tpu.memory_space<vmem>>) dst(%dma_wait3A_247 : memref<16x1024xf32, #tpu.memory_space<hbm>>)
        %mul3A_252 = arith.constant 16 : i32
        %mul3A_253 = arith.muli %sub3A_96, %mul3A_252 : i32
        %dma_start3A_254 = arith.constant 3 : i32
        %dma_start3A_255 = arith.constant 0 : i32
        %dma_start3A_256 = arith.constant 0 : i32
        %dma_start3A_257 = tpu.memref_slice %arg6[%dma_start3A_254, %dma_start3A_255, %dma_start3A_256] : memref<4x16x1024xf32, #tpu.memory_space<vmem>> -> memref<1x16x1024xf32, #tpu.memory_space<vmem>>
        %dma_start3A_258 = tpu.memref_squeeze %dma_start3A_257 : memref<1x16x1024xf32, #tpu.memory_space<vmem>> -> memref<16x1024xf32, #tpu.memory_space<vmem>>
        %dma_start3A_259 = tpu.memref_slice %arg5[%mul3A_253] : memref<1024xi32, #tpu.memory_space<vmem>> -> memref<16xi32, #tpu.memory_space<vmem>>
        %dma_start3A_260 = arith.constant 0 : i32
        %dma_start3A_261 = arith.constant 0 : i32
        %dma_start3A_262 = tpu.memref_slice %arg2[%dma_start3A_260, %dma_start3A_261] : memref<8192x1024xf32, #tpu.memory_space<hbm>> -> memref<8192x1024xf32, #tpu.memory_space<hbm>>
        tpu.enqueue_indirect_dma source(%dma_start3A_262 : memref<8192x1024xf32, #tpu.memory_space<hbm>>) target(%dma_start3A_258 : memref<16x1024xf32, #tpu.memory_space<vmem>>) offsets(%dma_start3A_259 : memref<16xi32, #tpu.memory_space<vmem>>) semaphore(%arg10 : memref<!tpu.dma_semaphore, #tpu.memory_space<semaphore_mem>>)
      } else {
      }
      %eq3A = arith.constant 0 : i32
      %eq3A_99 = arith.cmpi eq, %add3A_91, %eq3A : i32
      %convert_element_type3A_100 = arith.extui %eq3A_99 : i1 to i32
      %cond3A_101 = arith.constant 0 : i32
      %cond3A_102 = arith.cmpi ne, %convert_element_type3A_100, %cond3A_101 : i32
      scf.if %cond3A_102 {
        %mul3A_239 = arith.constant 16 : i32
        %mul3A_240 = arith.muli %sub3A_96, %mul3A_239 : i32
        %dma_start3A_241 = arith.constant 3 : i32
        %dma_start3A_242 = arith.constant 0 : i32
        %dma_start3A_243 = arith.constant 0 : i32
        %dma_start3A_244 = tpu.memref_slice %arg6[%dma_start3A_241, %dma_start3A_242, %dma_start3A_243] : memref<4x16x1024xf32, #tpu.memory_space<vmem>> -> memref<1x16x1024xf32, #tpu.memory_space<vmem>>
        %dma_start3A_245 = tpu.memref_squeeze %dma_start3A_244 : memref<1x16x1024xf32, #tpu.memory_space<vmem>> -> memref<16x1024xf32, #tpu.memory_space<vmem>>
        %dma_start3A_246 = tpu.memref_slice %arg5[%mul3A_240] : memref<1024xi32, #tpu.memory_space<vmem>> -> memref<16xi32, #tpu.memory_space<vmem>>
        %dma_start3A_247 = arith.constant 0 : i32
        %dma_start3A_248 = arith.constant 0 : i32
        %dma_start3A_249 = tpu.memref_slice %arg2[%dma_start3A_247, %dma_start3A_248] : memref<8192x1024xf32, #tpu.memory_space<hbm>> -> memref<8192x1024xf32, #tpu.memory_space<hbm>>
        tpu.enqueue_indirect_dma source(%dma_start3A_249 : memref<8192x1024xf32, #tpu.memory_space<hbm>>) target(%dma_start3A_245 : memref<16x1024xf32, #tpu.memory_space<vmem>>) offsets(%dma_start3A_246 : memref<16xi32, #tpu.memory_space<vmem>>) semaphore(%arg10 : memref<!tpu.dma_semaphore, #tpu.memory_space<semaphore_mem>>)
      } else {
      }
      %dma_wait3A_103 = arith.constant 0 : i32
      %dma_wait3A_104 = arith.constant 0 : i32
      %dma_wait3A_105 = arith.constant 0 : i32
      %dma_wait3A_106 = tpu.memref_slice %arg6[%dma_wait3A_103, %dma_wait3A_104, %dma_wait3A_105] : memref<4x16x1024xf32, #tpu.memory_space<vmem>> -> memref<1x16x1024xf32, #tpu.memory_space<vmem>>
      %dma_wait3A_107 = tpu.memref_squeeze %dma_wait3A_106 : memref<1x16x1024xf32, #tpu.memory_space<vmem>> -> memref<16x1024xf32, #tpu.memory_space<vmem>>
      %dma_wait3A_108 = arith.constant 0 : i32
      %dma_wait3A_109 = tpu.memref_slice %arg5[%dma_wait3A_108] : memref<1024xi32, #tpu.memory_space<vmem>> -> memref<16xi32, #tpu.memory_space<vmem>>
      %dma_wait3A_110 = arith.constant 0 : i32
      %dma_wait3A_111 = arith.constant 0 : i32
      %dma_wait3A_112 = tpu.memref_slice %arg2[%dma_wait3A_110, %dma_wait3A_111] : memref<8192x1024xf32, #tpu.memory_space<hbm>> -> memref<8192x1024xf32, #tpu.memory_space<hbm>>
      tpu.wait_indirect_dma semaphore(%arg7 : memref<!tpu.dma_semaphore, #tpu.memory_space<semaphore_mem>>) src(%dma_wait3A_112 : memref<8192x1024xf32, #tpu.memory_space<hbm>>) dst(%dma_wait3A_107 : memref<16x1024xf32, #tpu.memory_space<vmem>>)
      %mul3A_113 = arith.constant 16 : i32
      %mul3A_114 = arith.muli %add3A_93, %mul3A_113 : i32
      %add3A_115 = arith.addi %mul3A_2, %mul3A_114 : i32
      %dma_start3A_116 = arith.constant 0 : i32
      %dma_start3A_117 = arith.constant 0 : i32
      %dma_start3A_118 = arith.constant 0 : i32
      %dma_start3A_119 = tpu.memref_slice %arg6[%dma_start3A_116, %dma_start3A_117, %dma_start3A_118] : memref<4x16x1024xf32, #tpu.memory_space<vmem>> -> memref<1x16x1024xf32, #tpu.memory_space<vmem>>
      %dma_start3A_120 = tpu.memref_squeeze %dma_start3A_119 : memref<1x16x1024xf32, #tpu.memory_space<vmem>> -> memref<16x1024xf32, #tpu.memory_space<vmem>>
      %dma_start3A_121 = arith.constant 0 : i32
      %dma_start3A_122 = tpu.memref_slice %arg4[%add3A_115, %dma_start3A_121] : memref<32768x1024xf32, #tpu.memory_space<hbm>> -> memref<16x1024xf32, #tpu.memory_space<hbm>>
      %dma_start3A_123 = arith.constant 0 : i32
      %dma_start3A_124 = tpu.memref_slice %arg4[%add3A_115, %dma_start3A_123] : memref<32768x1024xf32, #tpu.memory_space<hbm>> -> memref<16x1024xf32, #tpu.memory_space<hbm>>
      %dma_start3A_125 = arith.constant 0 : i32
      %dma_start3A_126 = arith.constant 0 : i32
      %dma_start3A_127 = tpu.memref_slice %arg6[%dma_start3A_116, %dma_start3A_125, %dma_start3A_126] : memref<4x16x1024xf32, #tpu.memory_space<vmem>> -> memref<1x16x1024xf32, #tpu.memory_space<vmem>>
      %dma_start3A_128 = tpu.memref_squeeze %dma_start3A_127 : memref<1x16x1024xf32, #tpu.memory_space<vmem>> -> memref<16x1024xf32, #tpu.memory_space<vmem>>
      tpu.enqueue_dma source(%dma_start3A_128 : memref<16x1024xf32, #tpu.memory_space<vmem>>) target(%dma_start3A_124 : memref<16x1024xf32, #tpu.memory_space<hbm>>) target_semaphore(%arg11 : memref<!tpu.dma_semaphore, #tpu.memory_space<semaphore_mem>>)
      %add3A_129 = arith.constant 1 : i32
      %add3A_130 = arith.addi %add3A_91, %add3A_129 : i32
      %add3A_131 = arith.constant 4 : i32
      %add3A_132 = arith.addi %add3A_130, %add3A_131 : i32
      %sub3A_133 = arith.constant 1 : i32
      %sub3A_134 = arith.subi %add3A_132, %sub3A_133 : i32
      %lt3A = arith.constant 64 : i32
      %lt3A_135 = arith.cmpi slt, %sub3A_134, %lt3A : i32
      %convert_element_type3A_136 = arith.extui %lt3A_135 : i1 to i32
      %cond3A_137 = arith.constant 0 : i32
      %cond3A_138 = arith.cmpi ne, %convert_element_type3A_136, %cond3A_137 : i32
      scf.if %cond3A_138 {
        %dma_wait3A_239 = arith.constant 0 : i32
        %dma_wait3A_240 = arith.constant 0 : i32
        %dma_wait3A_241 = arith.constant 0 : i32
        %dma_wait3A_242 = tpu.memref_slice %arg6[%dma_wait3A_239, %dma_wait3A_240, %dma_wait3A_241] : memref<4x16x1024xf32, #tpu.memory_space<vmem>> -> memref<1x16x1024xf32, #tpu.memory_space<vmem>>
        %dma_wait3A_243 = tpu.memref_squeeze %dma_wait3A_242 : memref<1x16x1024xf32, #tpu.memory_space<vmem>> -> memref<16x1024xf32, #tpu.memory_space<vmem>>
        %dma_wait3A_244 = arith.constant 0 : i32
        %dma_wait3A_245 = tpu.memref_slice %arg4[%mul3A_2, %dma_wait3A_244] : memref<32768x1024xf32, #tpu.memory_space<hbm>> -> memref<16x1024xf32, #tpu.memory_space<hbm>>
        %dma_wait3A_246 = arith.constant 0 : i32
        %dma_wait3A_247 = tpu.memref_slice %arg4[%mul3A_2, %dma_wait3A_246] : memref<32768x1024xf32, #tpu.memory_space<hbm>> -> memref<16x1024xf32, #tpu.memory_space<hbm>>
        %dma_wait3A_248 = arith.constant 0 : i32
        %dma_wait3A_249 = arith.constant 0 : i32
        %dma_wait3A_250 = tpu.memref_slice %arg6[%dma_wait3A_239, %dma_wait3A_248, %dma_wait3A_249] : memref<4x16x1024xf32, #tpu.memory_space<vmem>> -> memref<1x16x1024xf32, #tpu.memory_space<vmem>>
        %dma_wait3A_251 = tpu.memref_squeeze %dma_wait3A_250 : memref<1x16x1024xf32, #tpu.memory_space<vmem>> -> memref<16x1024xf32, #tpu.memory_space<vmem>>
        tpu.wait_dma2 semaphore(%arg11 : memref<!tpu.dma_semaphore, #tpu.memory_space<semaphore_mem>>) src(%dma_wait3A_251 : memref<16x1024xf32, #tpu.memory_space<vmem>>) dst(%dma_wait3A_247 : memref<16x1024xf32, #tpu.memory_space<hbm>>)
        %mul3A_252 = arith.constant 16 : i32
        %mul3A_253 = arith.muli %sub3A_134, %mul3A_252 : i32
        %dma_start3A_254 = arith.constant 0 : i32
        %dma_start3A_255 = arith.constant 0 : i32
        %dma_start3A_256 = arith.constant 0 : i32
        %dma_start3A_257 = tpu.memref_slice %arg6[%dma_start3A_254, %dma_start3A_255, %dma_start3A_256] : memref<4x16x1024xf32, #tpu.memory_space<vmem>> -> memref<1x16x1024xf32, #tpu.memory_space<vmem>>
        %dma_start3A_258 = tpu.memref_squeeze %dma_start3A_257 : memref<1x16x1024xf32, #tpu.memory_space<vmem>> -> memref<16x1024xf32, #tpu.memory_space<vmem>>
        %dma_start3A_259 = tpu.memref_slice %arg5[%mul3A_253] : memref<1024xi32, #tpu.memory_space<vmem>> -> memref<16xi32, #tpu.memory_space<vmem>>
        %dma_start3A_260 = arith.constant 0 : i32
        %dma_start3A_261 = arith.constant 0 : i32
        %dma_start3A_262 = tpu.memref_slice %arg2[%dma_start3A_260, %dma_start3A_261] : memref<8192x1024xf32, #tpu.memory_space<hbm>> -> memref<8192x1024xf32, #tpu.memory_space<hbm>>
        tpu.enqueue_indirect_dma source(%dma_start3A_262 : memref<8192x1024xf32, #tpu.memory_space<hbm>>) target(%dma_start3A_258 : memref<16x1024xf32, #tpu.memory_space<vmem>>) offsets(%dma_start3A_259 : memref<16xi32, #tpu.memory_space<vmem>>) semaphore(%arg7 : memref<!tpu.dma_semaphore, #tpu.memory_space<semaphore_mem>>)
      } else {
      }
      %dma_wait3A_139 = arith.constant 1 : i32
      %dma_wait3A_140 = arith.constant 0 : i32
      %dma_wait3A_141 = arith.constant 0 : i32
      %dma_wait3A_142 = tpu.memref_slice %arg6[%dma_wait3A_139, %dma_wait3A_140, %dma_wait3A_141] : memref<4x16x1024xf32, #tpu.memory_space<vmem>> -> memref<1x16x1024xf32, #tpu.memory_space<vmem>>
      %dma_wait3A_143 = tpu.memref_squeeze %dma_wait3A_142 : memref<1x16x1024xf32, #tpu.memory_space<vmem>> -> memref<16x1024xf32, #tpu.memory_space<vmem>>
      %dma_wait3A_144 = arith.constant 0 : i32
      %dma_wait3A_145 = tpu.memref_slice %arg5[%dma_wait3A_144] : memref<1024xi32, #tpu.memory_space<vmem>> -> memref<16xi32, #tpu.memory_space<vmem>>
      %dma_wait3A_146 = arith.constant 0 : i32
      %dma_wait3A_147 = arith.constant 0 : i32
      %dma_wait3A_148 = tpu.memref_slice %arg2[%dma_wait3A_146, %dma_wait3A_147] : memref<8192x1024xf32, #tpu.memory_space<hbm>> -> memref<8192x1024xf32, #tpu.memory_space<hbm>>
      tpu.wait_indirect_dma semaphore(%arg8 : memref<!tpu.dma_semaphore, #tpu.memory_space<semaphore_mem>>) src(%dma_wait3A_148 : memref<8192x1024xf32, #tpu.memory_space<hbm>>) dst(%dma_wait3A_143 : memref<16x1024xf32, #tpu.memory_space<vmem>>)
      %mul3A_149 = arith.constant 16 : i32
      %mul3A_150 = arith.muli %add3A_130, %mul3A_149 : i32
      %add3A_151 = arith.addi %mul3A_2, %mul3A_150 : i32
      %dma_start3A_152 = arith.constant 1 : i32
      %dma_start3A_153 = arith.constant 0 : i32
      %dma_start3A_154 = arith.constant 0 : i32
      %dma_start3A_155 = tpu.memref_slice %arg6[%dma_start3A_152, %dma_start3A_153, %dma_start3A_154] : memref<4x16x1024xf32, #tpu.memory_space<vmem>> -> memref<1x16x1024xf32, #tpu.memory_space<vmem>>
      %dma_start3A_156 = tpu.memref_squeeze %dma_start3A_155 : memref<1x16x1024xf32, #tpu.memory_space<vmem>> -> memref<16x1024xf32, #tpu.memory_space<vmem>>
      %dma_start3A_157 = arith.constant 0 : i32
      %dma_start3A_158 = tpu.memref_slice %arg4[%add3A_151, %dma_start3A_157] : memref<32768x1024xf32, #tpu.memory_space<hbm>> -> memref<16x1024xf32, #tpu.memory_space<hbm>>
      %dma_start3A_159 = arith.constant 0 : i32
      %dma_start3A_160 = tpu.memref_slice %arg4[%add3A_151, %dma_start3A_159] : memref<32768x1024xf32, #tpu.memory_space<hbm>> -> memref<16x1024xf32, #tpu.memory_space<hbm>>
      %dma_start3A_161 = arith.constant 0 : i32
      %dma_start3A_162 = arith.constant 0 : i32
      %dma_start3A_163 = tpu.memref_slice %arg6[%dma_start3A_152, %dma_start3A_161, %dma_start3A_162] : memref<4x16x1024xf32, #tpu.memory_space<vmem>> -> memref<1x16x1024xf32, #tpu.memory_space<vmem>>
      %dma_start3A_164 = tpu.memref_squeeze %dma_start3A_163 : memref<1x16x1024xf32, #tpu.memory_space<vmem>> -> memref<16x1024xf32, #tpu.memory_space<vmem>>
      tpu.enqueue_dma source(%dma_start3A_164 : memref<16x1024xf32, #tpu.memory_space<vmem>>) target(%dma_start3A_160 : memref<16x1024xf32, #tpu.memory_space<hbm>>) target_semaphore(%arg12 : memref<!tpu.dma_semaphore, #tpu.memory_space<semaphore_mem>>)
      %add3A_165 = arith.constant 2 : i32
      %add3A_166 = arith.addi %add3A_91, %add3A_165 : i32
      %add3A_167 = arith.constant 4 : i32
      %add3A_168 = arith.addi %add3A_166, %add3A_167 : i32
      %sub3A_169 = arith.constant 1 : i32
      %sub3A_170 = arith.subi %add3A_168, %sub3A_169 : i32
      %lt3A_171 = arith.constant 64 : i32
      %lt3A_172 = arith.cmpi slt, %sub3A_170, %lt3A_171 : i32
      %convert_element_type3A_173 = arith.extui %lt3A_172 : i1 to i32
      %cond3A_174 = arith.constant 0 : i32
      %cond3A_175 = arith.cmpi ne, %convert_element_type3A_173, %cond3A_174 : i32
      scf.if %cond3A_175 {
        %dma_wait3A_239 = arith.constant 1 : i32
        %dma_wait3A_240 = arith.constant 0 : i32
        %dma_wait3A_241 = arith.constant 0 : i32
        %dma_wait3A_242 = tpu.memref_slice %arg6[%dma_wait3A_239, %dma_wait3A_240, %dma_wait3A_241] : memref<4x16x1024xf32, #tpu.memory_space<vmem>> -> memref<1x16x1024xf32, #tpu.memory_space<vmem>>
        %dma_wait3A_243 = tpu.memref_squeeze %dma_wait3A_242 : memref<1x16x1024xf32, #tpu.memory_space<vmem>> -> memref<16x1024xf32, #tpu.memory_space<vmem>>
        %dma_wait3A_244 = arith.constant 0 : i32
        %dma_wait3A_245 = tpu.memref_slice %arg4[%mul3A_2, %dma_wait3A_244] : memref<32768x1024xf32, #tpu.memory_space<hbm>> -> memref<16x1024xf32, #tpu.memory_space<hbm>>
        %dma_wait3A_246 = arith.constant 0 : i32
        %dma_wait3A_247 = tpu.memref_slice %arg4[%mul3A_2, %dma_wait3A_246] : memref<32768x1024xf32, #tpu.memory_space<hbm>> -> memref<16x1024xf32, #tpu.memory_space<hbm>>
        %dma_wait3A_248 = arith.constant 0 : i32
        %dma_wait3A_249 = arith.constant 0 : i32
        %dma_wait3A_250 = tpu.memref_slice %arg6[%dma_wait3A_239, %dma_wait3A_248, %dma_wait3A_249] : memref<4x16x1024xf32, #tpu.memory_space<vmem>> -> memref<1x16x1024xf32, #tpu.memory_space<vmem>>
        %dma_wait3A_251 = tpu.memref_squeeze %dma_wait3A_250 : memref<1x16x1024xf32, #tpu.memory_space<vmem>> -> memref<16x1024xf32, #tpu.memory_space<vmem>>
        tpu.wait_dma2 semaphore(%arg12 : memref<!tpu.dma_semaphore, #tpu.memory_space<semaphore_mem>>) src(%dma_wait3A_251 : memref<16x1024xf32, #tpu.memory_space<vmem>>) dst(%dma_wait3A_247 : memref<16x1024xf32, #tpu.memory_space<hbm>>)
        %mul3A_252 = arith.constant 16 : i32
        %mul3A_253 = arith.muli %sub3A_170, %mul3A_252 : i32
        %dma_start3A_254 = arith.constant 1 : i32
        %dma_start3A_255 = arith.constant 0 : i32
        %dma_start3A_256 = arith.constant 0 : i32
        %dma_start3A_257 = tpu.memref_slice %arg6[%dma_start3A_254, %dma_start3A_255, %dma_start3A_256] : memref<4x16x1024xf32, #tpu.memory_space<vmem>> -> memref<1x16x1024xf32, #tpu.memory_space<vmem>>
        %dma_start3A_258 = tpu.memref_squeeze %dma_start3A_257 : memref<1x16x1024xf32, #tpu.memory_space<vmem>> -> memref<16x1024xf32, #tpu.memory_space<vmem>>
        %dma_start3A_259 = tpu.memref_slice %arg5[%mul3A_253] : memref<1024xi32, #tpu.memory_space<vmem>> -> memref<16xi32, #tpu.memory_space<vmem>>
        %dma_start3A_260 = arith.constant 0 : i32
        %dma_start3A_261 = arith.constant 0 : i32
        %dma_start3A_262 = tpu.memref_slice %arg2[%dma_start3A_260, %dma_start3A_261] : memref<8192x1024xf32, #tpu.memory_space<hbm>> -> memref<8192x1024xf32, #tpu.memory_space<hbm>>
        tpu.enqueue_indirect_dma source(%dma_start3A_262 : memref<8192x1024xf32, #tpu.memory_space<hbm>>) target(%dma_start3A_258 : memref<16x1024xf32, #tpu.memory_space<vmem>>) offsets(%dma_start3A_259 : memref<16xi32, #tpu.memory_space<vmem>>) semaphore(%arg8 : memref<!tpu.dma_semaphore, #tpu.memory_space<semaphore_mem>>)
      } else {
      }
      %dma_wait3A_176 = arith.constant 2 : i32
      %dma_wait3A_177 = arith.constant 0 : i32
      %dma_wait3A_178 = arith.constant 0 : i32
      %dma_wait3A_179 = tpu.memref_slice %arg6[%dma_wait3A_176, %dma_wait3A_177, %dma_wait3A_178] : memref<4x16x1024xf32, #tpu.memory_space<vmem>> -> memref<1x16x1024xf32, #tpu.memory_space<vmem>>
      %dma_wait3A_180 = tpu.memref_squeeze %dma_wait3A_179 : memref<1x16x1024xf32, #tpu.memory_space<vmem>> -> memref<16x1024xf32, #tpu.memory_space<vmem>>
      %dma_wait3A_181 = arith.constant 0 : i32
      %dma_wait3A_182 = tpu.memref_slice %arg5[%dma_wait3A_181] : memref<1024xi32, #tpu.memory_space<vmem>> -> memref<16xi32, #tpu.memory_space<vmem>>
      %dma_wait3A_183 = arith.constant 0 : i32
      %dma_wait3A_184 = arith.constant 0 : i32
      %dma_wait3A_185 = tpu.memref_slice %arg2[%dma_wait3A_183, %dma_wait3A_184] : memref<8192x1024xf32, #tpu.memory_space<hbm>> -> memref<8192x1024xf32, #tpu.memory_space<hbm>>
      tpu.wait_indirect_dma semaphore(%arg9 : memref<!tpu.dma_semaphore, #tpu.memory_space<semaphore_mem>>) src(%dma_wait3A_185 : memref<8192x1024xf32, #tpu.memory_space<hbm>>) dst(%dma_wait3A_180 : memref<16x1024xf32, #tpu.memory_space<vmem>>)
      %mul3A_186 = arith.constant 16 : i32
      %mul3A_187 = arith.muli %add3A_166, %mul3A_186 : i32
      %add3A_188 = arith.addi %mul3A_2, %mul3A_187 : i32
      %dma_start3A_189 = arith.constant 2 : i32
      %dma_start3A_190 = arith.constant 0 : i32
      %dma_start3A_191 = arith.constant 0 : i32
      %dma_start3A_192 = tpu.memref_slice %arg6[%dma_start3A_189, %dma_start3A_190, %dma_start3A_191] : memref<4x16x1024xf32, #tpu.memory_space<vmem>> -> memref<1x16x1024xf32, #tpu.memory_space<vmem>>
      %dma_start3A_193 = tpu.memref_squeeze %dma_start3A_192 : memref<1x16x1024xf32, #tpu.memory_space<vmem>> -> memref<16x1024xf32, #tpu.memory_space<vmem>>
      %dma_start3A_194 = arith.constant 0 : i32
      %dma_start3A_195 = tpu.memref_slice %arg4[%add3A_188, %dma_start3A_194] : memref<32768x1024xf32, #tpu.memory_space<hbm>> -> memref<16x1024xf32, #tpu.memory_space<hbm>>
      %dma_start3A_196 = arith.constant 0 : i32
      %dma_start3A_197 = tpu.memref_slice %arg4[%add3A_188, %dma_start3A_196] : memref<32768x1024xf32, #tpu.memory_space<hbm>> -> memref<16x1024xf32, #tpu.memory_space<hbm>>
      %dma_start3A_198 = arith.constant 0 : i32
      %dma_start3A_199 = arith.constant 0 : i32
      %dma_start3A_200 = tpu.memref_slice %arg6[%dma_start3A_189, %dma_start3A_198, %dma_start3A_199] : memref<4x16x1024xf32, #tpu.memory_space<vmem>> -> memref<1x16x1024xf32, #tpu.memory_space<vmem>>
      %dma_start3A_201 = tpu.memref_squeeze %dma_start3A_200 : memref<1x16x1024xf32, #tpu.memory_space<vmem>> -> memref<16x1024xf32, #tpu.memory_space<vmem>>
      tpu.enqueue_dma source(%dma_start3A_201 : memref<16x1024xf32, #tpu.memory_space<vmem>>) target(%dma_start3A_197 : memref<16x1024xf32, #tpu.memory_space<hbm>>) target_semaphore(%arg13 : memref<!tpu.dma_semaphore, #tpu.memory_space<semaphore_mem>>)
      %add3A_202 = arith.constant 3 : i32
      %add3A_203 = arith.addi %add3A_91, %add3A_202 : i32
      %add3A_204 = arith.constant 4 : i32
      %add3A_205 = arith.addi %add3A_203, %add3A_204 : i32
      %sub3A_206 = arith.constant 1 : i32
      %sub3A_207 = arith.subi %add3A_205, %sub3A_206 : i32
      %lt3A_208 = arith.constant 64 : i32
      %lt3A_209 = arith.cmpi slt, %sub3A_207, %lt3A_208 : i32
      %convert_element_type3A_210 = arith.extui %lt3A_209 : i1 to i32
      %cond3A_211 = arith.constant 0 : i32
      %cond3A_212 = arith.cmpi ne, %convert_element_type3A_210, %cond3A_211 : i32
      scf.if %cond3A_212 {
        %dma_wait3A_239 = arith.constant 2 : i32
        %dma_wait3A_240 = arith.constant 0 : i32
        %dma_wait3A_241 = arith.constant 0 : i32
        %dma_wait3A_242 = tpu.memref_slice %arg6[%dma_wait3A_239, %dma_wait3A_240, %dma_wait3A_241] : memref<4x16x1024xf32, #tpu.memory_space<vmem>> -> memref<1x16x1024xf32, #tpu.memory_space<vmem>>
        %dma_wait3A_243 = tpu.memref_squeeze %dma_wait3A_242 : memref<1x16x1024xf32, #tpu.memory_space<vmem>> -> memref<16x1024xf32, #tpu.memory_space<vmem>>
        %dma_wait3A_244 = arith.constant 0 : i32
        %dma_wait3A_245 = tpu.memref_slice %arg4[%mul3A_2, %dma_wait3A_244] : memref<32768x1024xf32, #tpu.memory_space<hbm>> -> memref<16x1024xf32, #tpu.memory_space<hbm>>
        %dma_wait3A_246 = arith.constant 0 : i32
        %dma_wait3A_247 = tpu.memref_slice %arg4[%mul3A_2, %dma_wait3A_246] : memref<32768x1024xf32, #tpu.memory_space<hbm>> -> memref<16x1024xf32, #tpu.memory_space<hbm>>
        %dma_wait3A_248 = arith.constant 0 : i32
        %dma_wait3A_249 = arith.constant 0 : i32
        %dma_wait3A_250 = tpu.memref_slice %arg6[%dma_wait3A_239, %dma_wait3A_248, %dma_wait3A_249] : memref<4x16x1024xf32, #tpu.memory_space<vmem>> -> memref<1x16x1024xf32, #tpu.memory_space<vmem>>
        %dma_wait3A_251 = tpu.memref_squeeze %dma_wait3A_250 : memref<1x16x1024xf32, #tpu.memory_space<vmem>> -> memref<16x1024xf32, #tpu.memory_space<vmem>>
        tpu.wait_dma2 semaphore(%arg13 : memref<!tpu.dma_semaphore, #tpu.memory_space<semaphore_mem>>) src(%dma_wait3A_251 : memref<16x1024xf32, #tpu.memory_space<vmem>>) dst(%dma_wait3A_247 : memref<16x1024xf32, #tpu.memory_space<hbm>>)
        %mul3A_252 = arith.constant 16 : i32
        %mul3A_253 = arith.muli %sub3A_207, %mul3A_252 : i32
        %dma_start3A_254 = arith.constant 2 : i32
        %dma_start3A_255 = arith.constant 0 : i32
        %dma_start3A_256 = arith.constant 0 : i32
        %dma_start3A_257 = tpu.memref_slice %arg6[%dma_start3A_254, %dma_start3A_255, %dma_start3A_256] : memref<4x16x1024xf32, #tpu.memory_space<vmem>> -> memref<1x16x1024xf32, #tpu.memory_space<vmem>>
        %dma_start3A_258 = tpu.memref_squeeze %dma_start3A_257 : memref<1x16x1024xf32, #tpu.memory_space<vmem>> -> memref<16x1024xf32, #tpu.memory_space<vmem>>
        %dma_start3A_259 = tpu.memref_slice %arg5[%mul3A_253] : memref<1024xi32, #tpu.memory_space<vmem>> -> memref<16xi32, #tpu.memory_space<vmem>>
        %dma_start3A_260 = arith.constant 0 : i32
        %dma_start3A_261 = arith.constant 0 : i32
        %dma_start3A_262 = tpu.memref_slice %arg2[%dma_start3A_260, %dma_start3A_261] : memref<8192x1024xf32, #tpu.memory_space<hbm>> -> memref<8192x1024xf32, #tpu.memory_space<hbm>>
        tpu.enqueue_indirect_dma source(%dma_start3A_262 : memref<8192x1024xf32, #tpu.memory_space<hbm>>) target(%dma_start3A_258 : memref<16x1024xf32, #tpu.memory_space<vmem>>) offsets(%dma_start3A_259 : memref<16xi32, #tpu.memory_space<vmem>>) semaphore(%arg9 : memref<!tpu.dma_semaphore, #tpu.memory_space<semaphore_mem>>)
      } else {
      }
      %dma_wait3A_213 = arith.constant 3 : i32
      %dma_wait3A_214 = arith.constant 0 : i32
      %dma_wait3A_215 = arith.constant 0 : i32
      %dma_wait3A_216 = tpu.memref_slice %arg6[%dma_wait3A_213, %dma_wait3A_214, %dma_wait3A_215] : memref<4x16x1024xf32, #tpu.memory_space<vmem>> -> memref<1x16x1024xf32, #tpu.memory_space<vmem>>
      %dma_wait3A_217 = tpu.memref_squeeze %dma_wait3A_216 : memref<1x16x1024xf32, #tpu.memory_space<vmem>> -> memref<16x1024xf32, #tpu.memory_space<vmem>>
      %dma_wait3A_218 = arith.constant 0 : i32
      %dma_wait3A_219 = tpu.memref_slice %arg5[%dma_wait3A_218] : memref<1024xi32, #tpu.memory_space<vmem>> -> memref<16xi32, #tpu.memory_space<vmem>>
      %dma_wait3A_220 = arith.constant 0 : i32
      %dma_wait3A_221 = arith.constant 0 : i32
      %dma_wait3A_222 = tpu.memref_slice %arg2[%dma_wait3A_220, %dma_wait3A_221] : memref<8192x1024xf32, #tpu.memory_space<hbm>> -> memref<8192x1024xf32, #tpu.memory_space<hbm>>
      tpu.wait_indirect_dma semaphore(%arg10 : memref<!tpu.dma_semaphore, #tpu.memory_space<semaphore_mem>>) src(%dma_wait3A_222 : memref<8192x1024xf32, #tpu.memory_space<hbm>>) dst(%dma_wait3A_217 : memref<16x1024xf32, #tpu.memory_space<vmem>>)
      %mul3A_223 = arith.constant 16 : i32
      %mul3A_224 = arith.muli %add3A_203, %mul3A_223 : i32
      %add3A_225 = arith.addi %mul3A_2, %mul3A_224 : i32
      %dma_start3A_226 = arith.constant 3 : i32
      %dma_start3A_227 = arith.constant 0 : i32
      %dma_start3A_228 = arith.constant 0 : i32
      %dma_start3A_229 = tpu.memref_slice %arg6[%dma_start3A_226, %dma_start3A_227, %dma_start3A_228] : memref<4x16x1024xf32, #tpu.memory_space<vmem>> -> memref<1x16x1024xf32, #tpu.memory_space<vmem>>
      %dma_start3A_230 = tpu.memref_squeeze %dma_start3A_229 : memref<1x16x1024xf32, #tpu.memory_space<vmem>> -> memref<16x1024xf32, #tpu.memory_space<vmem>>
      %dma_start3A_231 = arith.constant 0 : i32
      %dma_start3A_232 = tpu.memref_slice %arg4[%add3A_225, %dma_start3A_231] : memref<32768x1024xf32, #tpu.memory_space<hbm>> -> memref<16x1024xf32, #tpu.memory_space<hbm>>
      %dma_start3A_233 = arith.constant 0 : i32
      %dma_start3A_234 = tpu.memref_slice %arg4[%add3A_225, %dma_start3A_233] : memref<32768x1024xf32, #tpu.memory_space<hbm>> -> memref<16x1024xf32, #tpu.memory_space<hbm>>
      %dma_start3A_235 = arith.constant 0 : i32
      %dma_start3A_236 = arith.constant 0 : i32
      %dma_start3A_237 = tpu.memref_slice %arg6[%dma_start3A_226, %dma_start3A_235, %dma_start3A_236] : memref<4x16x1024xf32, #tpu.memory_space<vmem>> -> memref<1x16x1024xf32, #tpu.memory_space<vmem>>
      %dma_start3A_238 = tpu.memref_squeeze %dma_start3A_237 : memref<1x16x1024xf32, #tpu.memory_space<vmem>> -> memref<16x1024xf32, #tpu.memory_space<vmem>>
      tpu.enqueue_dma source(%dma_start3A_238 : memref<16x1024xf32, #tpu.memory_space<vmem>>) target(%dma_start3A_234 : memref<16x1024xf32, #tpu.memory_space<hbm>>) target_semaphore(%arg14 : memref<!tpu.dma_semaphore, #tpu.memory_space<semaphore_mem>>)
    }
    %scan3A_35 = arith.constant 16 : i32
    %dma_wait3A = arith.constant 0 : i32
    %dma_wait3A_36 = arith.constant 0 : i32
    %dma_wait3A_37 = arith.constant 0 : i32
    %dma_wait3A_38 = tpu.memref_slice %arg6[%dma_wait3A, %dma_wait3A_36, %dma_wait3A_37] : memref<4x16x1024xf32, #tpu.memory_space<vmem>> -> memref<1x16x1024xf32, #tpu.memory_space<vmem>>
    %dma_wait3A_39 = tpu.memref_squeeze %dma_wait3A_38 : memref<1x16x1024xf32, #tpu.memory_space<vmem>> -> memref<16x1024xf32, #tpu.memory_space<vmem>>
    %dma_wait3A_40 = arith.constant 0 : i32
    %dma_wait3A_41 = tpu.memref_slice %arg4[%mul3A_2, %dma_wait3A_40] : memref<32768x1024xf32, #tpu.memory_space<hbm>> -> memref<16x1024xf32, #tpu.memory_space<hbm>>
    %dma_wait3A_42 = arith.constant 0 : i32
    %dma_wait3A_43 = tpu.memref_slice %arg4[%mul3A_2, %dma_wait3A_42] : memref<32768x1024xf32, #tpu.memory_space<hbm>> -> memref<16x1024xf32, #tpu.memory_space<hbm>>
    %dma_wait3A_44 = arith.constant 0 : i32
    %dma_wait3A_45 = arith.constant 0 : i32
    %dma_wait3A_46 = tpu.memref_slice %arg6[%dma_wait3A, %dma_wait3A_44, %dma_wait3A_45] : memref<4x16x1024xf32, #tpu.memory_space<vmem>> -> memref<1x16x1024xf32, #tpu.memory_space<vmem>>
    %dma_wait3A_47 = tpu.memref_squeeze %dma_wait3A_46 : memref<1x16x1024xf32, #tpu.memory_space<vmem>> -> memref<16x1024xf32, #tpu.memory_space<vmem>>
    tpu.wait_dma2 semaphore(%arg11 : memref<!tpu.dma_semaphore, #tpu.memory_space<semaphore_mem>>) src(%dma_wait3A_47 : memref<16x1024xf32, #tpu.memory_space<vmem>>) dst(%dma_wait3A_43 : memref<16x1024xf32, #tpu.memory_space<hbm>>)
    %dma_wait3A_48 = arith.constant 1 : i32
    %dma_wait3A_49 = arith.constant 0 : i32
    %dma_wait3A_50 = arith.constant 0 : i32
    %dma_wait3A_51 = tpu.memref_slice %arg6[%dma_wait3A_48, %dma_wait3A_49, %dma_wait3A_50] : memref<4x16x1024xf32, #tpu.memory_space<vmem>> -> memref<1x16x1024xf32, #tpu.memory_space<vmem>>
    %dma_wait3A_52 = tpu.memref_squeeze %dma_wait3A_51 : memref<1x16x1024xf32, #tpu.memory_space<vmem>> -> memref<16x1024xf32, #tpu.memory_space<vmem>>
    %dma_wait3A_53 = arith.constant 0 : i32
    %dma_wait3A_54 = tpu.memref_slice %arg4[%mul3A_2, %dma_wait3A_53] : memref<32768x1024xf32, #tpu.memory_space<hbm>> -> memref<16x1024xf32, #tpu.memory_space<hbm>>
    %dma_wait3A_55 = arith.constant 0 : i32
    %dma_wait3A_56 = tpu.memref_slice %arg4[%mul3A_2, %dma_wait3A_55] : memref<32768x1024xf32, #tpu.memory_space<hbm>> -> memref<16x1024xf32, #tpu.memory_space<hbm>>
    %dma_wait3A_57 = arith.constant 0 : i32
    %dma_wait3A_58 = arith.constant 0 : i32
    %dma_wait3A_59 = tpu.memref_slice %arg6[%dma_wait3A_48, %dma_wait3A_57, %dma_wait3A_58] : memref<4x16x1024xf32, #tpu.memory_space<vmem>> -> memref<1x16x1024xf32, #tpu.memory_space<vmem>>
    %dma_wait3A_60 = tpu.memref_squeeze %dma_wait3A_59 : memref<1x16x1024xf32, #tpu.memory_space<vmem>> -> memref<16x1024xf32, #tpu.memory_space<vmem>>
    tpu.wait_dma2 semaphore(%arg12 : memref<!tpu.dma_semaphore, #tpu.memory_space<semaphore_mem>>) src(%dma_wait3A_60 : memref<16x1024xf32, #tpu.memory_space<vmem>>) dst(%dma_wait3A_56 : memref<16x1024xf32, #tpu.memory_space<hbm>>)
    %dma_wait3A_61 = arith.constant 2 : i32
    %dma_wait3A_62 = arith.constant 0 : i32
    %dma_wait3A_63 = arith.constant 0 : i32
    %dma_wait3A_64 = tpu.memref_slice %arg6[%dma_wait3A_61, %dma_wait3A_62, %dma_wait3A_63] : memref<4x16x1024xf32, #tpu.memory_space<vmem>> -> memref<1x16x1024xf32, #tpu.memory_space<vmem>>
    %dma_wait3A_65 = tpu.memref_squeeze %dma_wait3A_64 : memref<1x16x1024xf32, #tpu.memory_space<vmem>> -> memref<16x1024xf32, #tpu.memory_space<vmem>>
    %dma_wait3A_66 = arith.constant 0 : i32
    %dma_wait3A_67 = tpu.memref_slice %arg4[%mul3A_2, %dma_wait3A_66] : memref<32768x1024xf32, #tpu.memory_space<hbm>> -> memref<16x1024xf32, #tpu.memory_space<hbm>>
    %dma_wait3A_68 = arith.constant 0 : i32
    %dma_wait3A_69 = tpu.memref_slice %arg4[%mul3A_2, %dma_wait3A_68] : memref<32768x1024xf32, #tpu.memory_space<hbm>> -> memref<16x1024xf32, #tpu.memory_space<hbm>>
    %dma_wait3A_70 = arith.constant 0 : i32
    %dma_wait3A_71 = arith.constant 0 : i32
    %dma_wait3A_72 = tpu.memref_slice %arg6[%dma_wait3A_61, %dma_wait3A_70, %dma_wait3A_71] : memref<4x16x1024xf32, #tpu.memory_space<vmem>> -> memref<1x16x1024xf32, #tpu.memory_space<vmem>>
    %dma_wait3A_73 = tpu.memref_squeeze %dma_wait3A_72 : memref<1x16x1024xf32, #tpu.memory_space<vmem>> -> memref<16x1024xf32, #tpu.memory_space<vmem>>
    tpu.wait_dma2 semaphore(%arg13 : memref<!tpu.dma_semaphore, #tpu.memory_space<semaphore_mem>>) src(%dma_wait3A_73 : memref<16x1024xf32, #tpu.memory_space<vmem>>) dst(%dma_wait3A_69 : memref<16x1024xf32, #tpu.memory_space<hbm>>)
    %dma_wait3A_74 = arith.constant 3 : i32
    %dma_wait3A_75 = arith.constant 0 : i32
    %dma_wait3A_76 = arith.constant 0 : i32
    %dma_wait3A_77 = tpu.memref_slice %arg6[%dma_wait3A_74, %dma_wait3A_75, %dma_wait3A_76] : memref<4x16x1024xf32, #tpu.memory_space<vmem>> -> memref<1x16x1024xf32, #tpu.memory_space<vmem>>
    %dma_wait3A_78 = tpu.memref_squeeze %dma_wait3A_77 : memref<1x16x1024xf32, #tpu.memory_space<vmem>> -> memref<16x1024xf32, #tpu.memory_space<vmem>>
    %dma_wait3A_79 = arith.constant 0 : i32
    %dma_wait3A_80 = tpu.memref_slice %arg4[%mul3A_2, %dma_wait3A_79] : memref<32768x1024xf32, #tpu.memory_space<hbm>> -> memref<16x1024xf32, #tpu.memory_space<hbm>>
    %dma_wait3A_81 = arith.constant 0 : i32
    %dma_wait3A_82 = tpu.memref_slice %arg4[%mul3A_2, %dma_wait3A_81] : memref<32768x1024xf32, #tpu.memory_space<hbm>> -> memref<16x1024xf32, #tpu.memory_space<hbm>>
    %dma_wait3A_83 = arith.constant 0 : i32
    %dma_wait3A_84 = arith.constant 0 : i32
    %dma_wait3A_85 = tpu.memref_slice %arg6[%dma_wait3A_74, %dma_wait3A_83, %dma_wait3A_84] : memref<4x16x1024xf32, #tpu.memory_space<vmem>> -> memref<1x16x1024xf32, #tpu.memory_space<vmem>>
    %dma_wait3A_86 = tpu.memref_squeeze %dma_wait3A_85 : memref<1x16x1024xf32, #tpu.memory_space<vmem>> -> memref<16x1024xf32, #tpu.memory_space<vmem>>
    tpu.wait_dma2 semaphore(%arg14 : memref<!tpu.dma_semaphore, #tpu.memory_space<semaphore_mem>>) src(%dma_wait3A_86 : memref<16x1024xf32, #tpu.memory_space<vmem>>) dst(%dma_wait3A_82 : memref<16x1024xf32, #tpu.memory_space<hbm>>)
    return
  }
}

</mosaic_0001>

<sc_bundles>
// kernel: kernel.3.cloned.1.call-start
scs
__scs_entry_jumppad:
0x0: {  	(pc) =	sbr.rel $0x88, $3  }
0x1: {  	(tag) =	ssettag $0x0;
	lr =	simm.s32 $0x1  }
0x2: {  	[smem:$0x3F9F] =	sst lr;
	_ =	strace $0xD0000000  }
0x3: {  	_ = 	snop  }
0x4: {  	_ = 	snop  }
0x5: {  	_ = 	snop  }
0x6: {  	_ = 	snop  }
0x7: {  	_ = 	snop  }
__scs_overlays_trampoline_lowered:
0x8: {  	[smem:$0x3FAE] =	sst s0  }
0x9: {  	[smem:$0x3FAF] =	sst s1  }
0xa: {  	[smem:$0x3FB0] =	sst s2  }
0xb: {  	[smem:$0x3FB1] =	sst s3  }
0xc: {  	[smem:$0x3FB2] =	sst s4  }
0xd: {  	[smem:$0x3FB3] =	sst s5  }
0xe: {  	[smem:$0x3FB4] =	sst s6  }
0xf: {  	[smem:$0x3FB5] =	sst s7  }
0x10: {  	[smem:$0x3FB6] =	sst s8  }
0x11: {  	[smem:$0x3FB7] =	sst s9;
	s0 =	simm.s32 @!p0 $0x0  }
0x12: {  	s1 =	sld [smem:$0x3F9D];
	s0 =	simm.s32 @p0 $0x1  }
0x13: {  	[smem:$0x3FB8] =	sst s0;
	s0 =	simm.s32 @!p1 $0x0  }
0x14: {  	s2 =	sld [smem:$0x3F9C];
	s0 =	simm.s32 @p1 $0x1  }
0x15: {  	[smem:$0x3FB9] =	sst s0;
	s0 =	simm.s32 @!p2 $0x0  }
0x16: {  	s3 =	sld [smem:$0x3FDB];
	s0 =	simm.s32 @p2 $0x1  }
0x17: {  	s4 =	simm.s32 $0x1BF5;
	[smem:$0x3FBB] =	sst s0  }
0x18: {  	s0 =	sld [smem:$0x3F9E];
	_ =	swait.ge [sflag:s4], $0x0  }
0x19: {  	s7 =	sld [smem:$0x3F9F]  }
0x1a: {  	s8 =	sadd.s32 $0xFFFFE003, lr  }
0x1b: {  	s9 =	sadd.s32 $0xFFFFFEF7, lr;
	s5 =	simm.s32 $0xFFFFFFFF;
	p2 =	slt.u32 s8, $0xFFFFF086  }
0x1c: {  	p1 =	slt.u32 s9, $0xF7A;
	s5 =	simm.s32 @!p2 $0x0  }
0x1d: {  	s5 =	simm.s32 @p1 $0x1;
	p0 =	seq.s32 s7, s2  }
0x1e: {  	s7 =	smul.u32 @!p0 $0xF7A, s2;
	p2 =	seq.s32 @!p0 s5, $0x0  }
0x1f: {  	s9 =	smul.u32 $0xF7A, s1;
	s8 =	simm.s32 @!p0 $0x1BF5;
	p2 =	por !p2, p0  }
0x20: {  	[sflag:s8] =	ssyncset.s32 @!p0 $0xFFFFF086;
	s6 =	sadd.s32 @!p0 s3, s7;
	s7 =	simm.s32 @!p0 $0x108  }
0x21: {  	s3 =	sadd.s32 s3, s9;
	s6 =	sadd.s32 @!p0 $0x88, s6;
	s7 =	simm.s32 @p2 $0x1082  }
0x22: {  	[simem:s7], [sflag:s8] =	dma.local @!p0 [hbm:s6], $0xF7A  }
0x23: {  	s9 =	sor.u32 $0xD0000000, s2;
	s6 =	simm.s32 $0x108;
	_ =	swait.ge @!p0 [sflag:s8], $0x0  }
0x24: {  	s3 =	sadd.s32 $0x88, s3;
	s6 =	simm.s32 @!p1 $0x1082;
	[sflag:s4] =	ssyncset.s32 $0xFFFFF086  }
0x25: {  	[simem:s6], [sflag:s4] =	dma.local [hbm:s3], $0xF7A  }
0x26: {  	[smem:$0x3F9F] =	sst s1;
	(tag) =	ssettag s2;
	_ =	strace s9  }
0x27: {  	s1 =	sld [smem:$0x3FAF]  }
0x28: {  	s2 =	sld [smem:$0x3FB0]  }
0x29: {  	s4 =	sld [smem:$0x3FB2]  }
0x2a: {  	p0 =	seq.s32 s5, $0x0;
	s5 =	sld [smem:$0x3FB3]  }
0x2b: {  	s6 =	sld [smem:$0x3FB4]  }
0x2c: {  	s7 =	sld [smem:$0x3FB5]  }
0x2d: {  	s3 =	simm.s32 $0x108;
	s8 =	sld [smem:$0x3FB6]  }
0x2e: {  	s3 =	simm.s32 @!p0 $0x1082;
	s9 =	sld [smem:$0x3FB7]  }
0x2f: {  	lr =	sadd.s32 s0, s3;
	s0 =	sld [smem:$0x3FAE]  }
0x30: {  	s3 =	sld [smem:$0x3FB1]  }
0x31: {  	[smem:$0x3FBA] =	sst s10  }
0x32: {  	s10 =	sld [smem:$0x3FB8];
	_ =	sdelay $0x3  }
0x33: {  	p0 =	seq.s32 s10, $0x1;
	s10 =	sld [smem:$0x3FBA];
	_ =	sdelay $0x3  }
0x34: {  	[smem:$0x3FBA] =	sst s10  }
0x35: {  	s10 =	sld [smem:$0x3FB9];
	_ =	sdelay $0x3  }
0x36: {  	p1 =	seq.s32 s10, $0x1;
	s10 =	sld [smem:$0x3FBA];
	_ =	sdelay $0x3  }
0x37: {  	[smem:$0x3FBA] =	sst s10  }
0x38: {  	s10 =	sld [smem:$0x3FBB]  }
0x39: {  	_ = 	snop;
	(pc) =	sbr.ind lr, $3  }
0x3a: {  	_ = 	snop  }
0x3b: {  	_ = 	snop  }
0x3c: {  	p2 =	seq.s32 s10, $0x1;
	s10 =	sld [smem:$0x3FBA]  }
0x3d: {  	_ =	shalt  }
0x3e: {  	_ =	shalt  }
0x3f: {  	_ =	shalt  }
0x40: {  	_ =	shalt  }
0x41: {  	_ =	shalt  }
0x42: {  	_ =	shalt  }
0x43: {  	_ =	shalt  }
0x44: {  	_ =	shalt  }
0x45: {  	_ =	shalt  }
0x46: {  	_ =	shalt  }
0x47: {  	_ =	shalt  }
0x48: {  	_ =	shalt  }
0x49: {  	_ =	shalt  }
0x4a: {  	_ =	shalt  }
0x4b: {  	_ =	shalt  }
0x4c: {  	_ =	shalt  }
0x4d: {  	_ =	shalt  }
0x4e: {  	_ =	shalt  }
0x4f: {  	_ =	shalt  }
0x50: {  	_ =	shalt  }
0x51: {  	_ =	shalt  }
0x52: {  	_ =	shalt  }
0x53: {  	_ =	shalt  }
0x54: {  	_ =	shalt  }
0x55: {  	_ =	shalt  }
0x56: {  	_ =	shalt  }
0x57: {  	_ =	shalt  }
0x58: {  	_ =	shalt  }
0x59: {  	_ =	shalt  }
0x5a: {  	_ =	shalt  }
0x5b: {  	_ =	shalt  }
0x5c: {  	_ =	shalt  }
0x5d: {  	_ =	shalt  }
0x5e: {  	_ =	shalt  }
0x5f: {  	_ =	shalt  }
0x60: {  	_ =	shalt  }
0x61: {  	_ =	shalt  }
0x62: {  	_ =	shalt  }
0x63: {  	_ =	shalt  }
0x64: {  	_ =	shalt  }
0x65: {  	_ =	shalt  }
0x66: {  	_ =	shalt  }
0x67: {  	_ =	shalt  }
0x68: {  	_ =	shalt  }
0x69: {  	_ =	shalt  }
0x6a: {  	_ =	shalt  }
0x6b: {  	_ =	shalt  }
0x6c: {  	_ =	shalt  }
0x6d: {  	_ =	shalt  }
0x6e: {  	_ =	shalt  }
0x6f: {  	_ =	shalt  }
0x70: {  	_ =	shalt  }
0x71: {  	_ =	shalt  }
0x72: {  	_ =	shalt  }
0x73: {  	_ =	shalt  }
0x74: {  	_ =	shalt  }
0x75: {  	_ =	shalt  }
0x76: {  	_ =	shalt  }
0x77: {  	_ =	shalt  }
0x78: {  	_ =	shalt  }
0x79: {  	_ =	shalt  }
0x7a: {  	_ =	shalt  }
0x7b: {  	_ =	shalt  }
0x7c: {  	_ =	shalt  }
0x7d: {  	_ =	shalt  }
0x7e: {  	_ =	shalt  }
0x7f: {  	_ =	shalt  }
0x80: {  	_ =	shalt  }
0x81: {  	_ =	shalt  }
0x82: {  	_ =	shalt  }
0x83: {  	_ =	shalt  }
0x84: {  	_ =	shalt  }
0x85: {  	_ =	shalt  }
0x86: {  	_ =	shalt  }
0x87: {  	_ =	shalt  }
.Lfunc_end0:
.L_simem_size_0:
called_computation_lowered:
.L_overlay_start_0:
0x88: {  	s2 =	sld [smem:$0x3FD9]  }
0x89: {  	s3 =	sld [smem:$0x3FFE];
	_ =	sdelay $0x1  }
0x8a: {  	s1 =	srdreg.scid  }
0x8b: {  	s0 =	sand.u32 $0x1, s1  }
0x8c: {  	s17 =	sshll.u32 s0, $0xA;
	s2 =	sadd.s32 s3, s2  }
0x8d: {  	s2 =	sadd.s32 s2, s17  }
0x8e: {  	[smem:$0x3FC6] =	sst s2  }
0x8f: {  	_ = 	snop  }
0x90: {  	s2 =	sld [smem:$0x3FC8]  }
0x91: {  	s18 =	sld [smem:$0x3FD0];
	(tm) =	ssettm $0x1  }
0x92: {  	s4 =	sld [smem:$0x3FFB];
	_ =	sdelay $0x3  }
0x93: {  	_ =	strace s4  }
0x94: {  	s4 =	sld [smem:$0x3FFC];
	_ =	sdelay $0x3  }
0x95: {  	_ =	strace s4  }
0x96: {  	s4 =	sld [smem:$0x3FFD];
	_ =	sdelay $0x3  }
0x97: {  	_ =	strace s4  }
0x98: {  	_ =	strace $0x8FFFFFFF  }
0x99: {  	s19 =	sld [smem:$0x3FDB];
	_ =	sdelay $0x1  }
0x9a: {  	s5 =	simm.s32 $_scs_section_size  }
0x9b: {  	s6 =	simm.s32 $_size__tile_overlayer_lowered;
	s7 =	simm.s32 $_tile_overlayer_lowered  }
0x9c: {  	s22 =	simm.s32 $0x1BFF;
	s21 =	sshll.u32 s7, $0x1;
	s4 =	sadd.s32 s5, s19  }
0x9d: {  	s8 =	simm.s32 $0x0;
	s20 =	sshll.u32 s6, $0x1;
	s6 =	sadd.s32 s21, s4  }
0x9e: {  	[timem:s8], [sflag:s22] =	dma.local [hbm:s6], s20  }
0x9f: {  	_ =	swait.ge [sflag:s22], s20  }
0xa0: {  	s5 =	ssub.s32 $0x0, s20;
	[sflag:s22] =	ssyncset.done $0x0  }
0xa1: {  	[sflag:s22] =	ssyncadd.s32 s5;
	_ =	sdelay $0x1  }
0xa2: {  	s23 =	simm.s32 $0x1B8B  }
0xa3: {  	_ =	swait.ge [sflag:s23], $0x1  }
0xa4: {  	[sflag:s23] =	ssyncset.done $0x0  }
0xa5: {  	s25 =	simm.s32 $0x1B8E;
	s24 =	sld [smem:$0x3FFE];
	[sflag:s23] =	ssyncadd.s32 $0xFFFFFFFF  }
0xa6: {  	s26 =	simm.s32 $execute0_lowered;
	[smem:$0x3FD2] =	sst s25  }
0xa7: {  	s6 =	sshll.u32 s26, $0x1;
	_ =	strace $0x80000046;
	[dreg:$0x1] =	wrdreg $0xFFFFFFFF  }
0xa8: {  	s28 =	simm.s32 $_size_execute0_lowered;
	s4 =	sadd.s32 s4, s6;
	[dreg:$0x0] =	wrdreg $0x0  }
0xa9: {  	s6 =	sshll.u32 s28, $0x1;
	[dreg:$0x2] =	wrdreg s4  }
0xaa: {  	[dreg:$0x3] =	wrdreg s6  }
0xab: {  	[dreg:$0x4] =	wrdreg $0xC0  }
0xac: {  	_ =	task [dreg:s8], $0x5FFFF  }
0xad: {  	[dreg:$0x1] =	wrdreg $0xFFFFFFFF  }
0xae: {  	[dreg:$0x0] =	wrdreg $0x60  }
0xaf: {  	[dreg:$0x2] =	wrdreg s2  }
0xb0: {  	[dreg:$0x3] =	wrdreg s24  }
0xb1: {  	[dreg:$0x4] =	wrdreg s18  }
0xb2: {  	[dreg:$0x5] =	wrdreg $0x9  }
0xb3: {  	_ =	task.clear_ibuf [dreg:s8], $0x6FFFF;
	_ =	strace $0x90000046  }
0xb4: {  	s29 =	simm.s32 $0x9;
	_ =	strace $0x80000048  }
0xb5: {  	_ =	swait.ge [sflag:s29], $0x1  }
0xb6: {  	[sflag:s29] =	ssyncadd.s32 $0xFFFFFFFF  }
0xb7: {  	_ =	strace $0x90000048  }
0xb8: {  	_ =	sfence  }
0xb9: {  	s30 =	sld [smem:$0x0];
	_ =	sdelay $0x2  }
0xba: {  	s31 =	sshll.u32 s1, $0xD;
	s1 =	sshrl.u32 s1, $0x2  }
0xbb: {  	s3 =	sand.u32 $0x4000, s31;
	s1 =	sadd.s32 s1, s30  }
0xbc: {  	s0 =	sor.u32 s3, s0;
	s1 =	sshll.u32 s1, $0x11  }
0xbd: {  	s0 =	sor.u32 s1, s0  }
0xbe: {  	s0 =	sadd.s32 $0x8F2B, s0  }
0xbf: {  	[sflag:s0] =	ssyncadd.remote.s32 $0x1  }
0xc0: {  	_ =	sfence.sel $0xFFFF  }
0xc1: {  	[dreg:$0x0] =	wrdreg $0xFFFFFFFF;
	(pc) =	sbr.abs _section_cstart, $3  }
0xc2: {  	[dreg:$0x1] =	wrdreg $0xFFFFFFFF  }
0xc3: {  	_ =	task.clear_ibuf [dreg:s8], $0x2FFFF;
	_ =	strace $0x9FFFFFFF  }
0xc4: {  	(tm) =	ssettm $0x7FFFFFFF  }
0xc5: {  	_ =	shalt  }
tec
execute0_lowered:
.L_overlay_start_1:
0x0: {  	(tag) =	ssettag $0x1  }
0x1: {  	s1 =	rddreg [dreg:$0x0]  }
0x2: {  	s0 =	srdreg.scid;
	s2 =	rddreg [dreg:$0x1]  }
0x3: {  	s7 =	stileid.u32;
	s6 =	rddreg [dreg:$0x2];
	s3 =	simm.s32 $0x0  }
0x4: {  	s9 =	simm.s32 $0x9;
	s10 =	simm.s32 $0x400;
	s22 =	simm.s32 $0xCC00  }
0x5: {  	s18 =	simm.s32 $0x4400;
	s23 =	simm.s32 $0xD400;
	s24 =	simm.s32 $0xDC00  }
0x6: {  	s25 =	simm.s32 $0xE400;
	s26 =	simm.s32 $0xEC00;
	s28 =	simm.s32 $0xF400  }
0x7: {  	s29 =	simm.s32 $0xFC00;
	s30 =	simm.s32 $0x9C00;
	s31 =	simm.s32 $0xA400  }
0x8: {  	s11 =	simm.s32 $0xBC00;
	s12 =	simm.s32 $0xC400;
	[smem:$0x7FF] =	sst s3  }
0x9: {  	s13 =	simm.s32 $0x1;
	_ =	strace $0x80000047;
	[dreg:$0x5] =	wrdreg s22  }
0xa: {  	s14 =	simm.s32 $0x2;
	s15 =	simm.s32 $0x3;
	[dreg:$0x6] =	wrdreg s23  }
0xb: {  	s16 =	simm.s32 $0x4;
	s17 =	simm.s32 $0x5;
	[dreg:$0x7] =	wrdreg s24  }
0xc: {  	s0 =	sand.u32 $0x1, s0;
	s4 =	sshll.u32 s7, $0xB;
	[dreg:$0x8] =	wrdreg s25  }
0xd: {  	s21 =	sshll.u32 s7, $0x12;
	s7 =	sadd.s32 $0x300, s1;
	[dreg:$0x9] =	wrdreg s26  }
0xe: {  	s5 =	sshll.u32 s0, $0xA;
	s19 =	ssub.s32 $0x2, s0;
	[dreg:$0xa] =	wrdreg s28  }
0xf: {  	s0 =	sshll.u32 s0, $0x11;
	[dreg:$0xb] =	wrdreg s29;
	s26 =	simm.s32 $0x8400  }
0x10: {  	s22 =	simm.s32 $0x0;
	s4 =	sor.u32 s5, s4;
	s20 =	sshrl.u32 s19, $0x1  }
0x11: {  	s5 =	sadd.s32 $0x100, s1;
	s4 =	sshrl.u32 s4, $0x3;
	s8 =	ssub.s32 s19, s20  }
0x12: {  	s19 =	simm.s32 $0x6;
	s20 =	simm.s32 $0x7;
	s2 =	sadd.s32 s4, s2  }
0x13: {  	v2 =	vlaneseq.u32;
	s8 =	smax.u32 s8, $0x1;
	s4 =	sadd.s32 $0x400, s2;
	s2 =	sadd.s32 s21, s6  }
0x14: {  	vm0 =	vmmov $0xffff;
	v1 =	vshrl.u32 v2, $0x3;
	s6 =	sadd.s32 $0x200, s1;
	s21 =	simm.s32 $0x8;
	s0 =	sadd.s32 s0, s2  }
0x15: {  	v0 =	vand.u32 $0x7, v2;
	v2 =	vor.u32 $0x8, v2;
	v1 =	vmul.u32 $0x8, v1;
	s2 =	simm.s32 $0xAC00;
	[dreg:$0x4] =	wrdreg s0;
	s0 =	simm.s32 $0xB400  }
.LBB2_1:
0x16: {  	[tilespmem:s3], [sflag:$0x9] =	stream.linear.gather [hbm4b:s4+s3], $0x400, $0x38;
	[tilespmem:$0x10400] =	vst v63  }
0x17: {  	_ =	swait.ge [sflag:s9], $0x400  }
0x18: {  	[sflag:s9] =	ssyncset.done $0x0  }
0x19: {  	[sflag:s9] =	ssyncadd.s32 $0xFFFFFC00  }
0x1a: {  	v3 =	vld [tilespmem:$0x0];
	_ =	sdelay $0x4  }
0x1b: {  	v4 =	vshll.u32 v3, $0x3  }
0x1c: {  	v3 =	vand.u32 $0x7, v3;
	v4 =	vand.u32 $0xFFFFFFC0, v4  }
0x1d: {  	v3 =	vor.u32 v3, v4  }
0x1e: {  	v4 =	vperm.xlane v3, v0;
	_ =	sdelay $0x1  }
0x1f: {  	v4 =	vadd.s32 v1, v4;
	_ =	sdelay $0x4  }
0x20: {  	[tilespmem:s10], [sflag:$0x1] =	stream.indirect_vreg.gather [hbm4b:s1+s3], $0x80, v4, vm0, $0xb8;
	[tilespmem:$0x10400] =	vst v63  }
0x21: {  	s23 =	simm.s32 $0xC00;
	v3 =	vperm.xlane v3, v2  }
0x22: {  	[tilespmem:s23], [sflag:$0x1] =	stream.indirect_vreg.gather [hbm4b:s5+s3], $0x80, v4, vm0, $0xb8;
	[tilespmem:$0x10400] =	vst v63  }
0x23: {  	s25 =	simm.s32 $0x1400;
	v3 =	vadd.s32 v1, v3  }
0x24: {  	[tilespmem:s25], [sflag:$0x1] =	stream.indirect_vreg.gather [hbm4b:s6+s3], $0x80, v4, vm0, $0xb8;
	[tilespmem:$0x10400] =	vst v63  }
0x25: {  	s28 =	simm.s32 $0x1C00  }
0x26: {  	[tilespmem:s28], [sflag:$0x1] =	stream.indirect_vreg.gather [hbm4b:s7+s3], $0x80, v4, vm0, $0xb8;
	[tilespmem:$0x10400] =	vst v63  }
0x27: {  	s29 =	simm.s32 $0x2400  }
0x28: {  	[tilespmem:s29], [sflag:$0x1] =	stream.indirect_vreg.gather [hbm4b:s1+s3], $0x80, v3, vm0, $0xb8;
	[tilespmem:$0x10400] =	vst v63  }
0x29: {  	s24 =	simm.s32 $0x2C00  }
0x2a: {  	[tilespmem:s24], [sflag:$0x1] =	stream.indirect_vreg.gather [hbm4b:s5+s3], $0x80, v3, vm0, $0xb8;
	[tilespmem:$0x10400] =	vst v63  }
0x2b: {  	s25 =	simm.s32 $0x3400  }
0x2c: {  	[tilespmem:s25], [sflag:$0x1] =	stream.indirect_vreg.gather [hbm4b:s6+s3], $0x80, v3, vm0, $0xb8;
	[tilespmem:$0x10400] =	vst v63  }
0x2d: {  	s28 =	simm.s32 $0x3C00  }
0x2e: {  	[tilespmem:s28], [sflag:$0x1] =	stream.indirect_vreg.gather [hbm4b:s7+s3], $0x80, v3, vm0, $0xb8;
	[tilespmem:$0x10400] =	vst v63  }
0x2f: {  	v3 =	vld [tilespmem:$0x10];
	_ =	sdelay $0x4  }
0x30: {  	v62 =	vshll.u32 v3, $0x3  }
0x31: {  	v3 =	vand.u32 $0x7, v3;
	v4 =	vand.u32 $0xFFFFFFC0, v62  }
0x32: {  	v3 =	vor.u32 v3, v4  }
0x33: {  	v4 =	vperm.xlane v3, v0;
	_ =	sdelay $0x1  }
0x34: {  	v4 =	vadd.s32 v1, v4;
	_ =	sdelay $0x4  }
0x35: {  	[tilespmem:s18], [sflag:$0x2] =	stream.indirect_vreg.gather [hbm4b:s1+s3], $0x80, v4, vm0, $0xb8;
	[tilespmem:$0x10400] =	vst v63  }
0x36: {  	s29 =	simm.s32 $0x4C00;
	v3 =	vperm.xlane v3, v2  }
0x37: {  	[tilespmem:s29], [sflag:$0x2] =	stream.indirect_vreg.gather [hbm4b:s5+s3], $0x80, v4, vm0, $0xb8;
	[tilespmem:$0x10400] =	vst v63  }
0x38: {  	s24 =	simm.s32 $0x5400;
	v3 =	vadd.s32 v1, v3  }
0x39: {  	[tilespmem:s24], [sflag:$0x2] =	stream.indirect_vreg.gather [hbm4b:s6+s3], $0x80, v4, vm0, $0xb8;
	[tilespmem:$0x10400] =	vst v63  }
0x3a: {  	s25 =	simm.s32 $0x5C00  }
0x3b: {  	[tilespmem:s25], [sflag:$0x2] =	stream.indirect_vreg.gather [hbm4b:s7+s3], $0x80, v4, vm0, $0xb8;
	[tilespmem:$0x10400] =	vst v63  }
0x3c: {  	s28 =	simm.s32 $0x6400  }
0x3d: {  	[tilespmem:s28], [sflag:$0x2] =	stream.indirect_vreg.gather [hbm4b:s1+s3], $0x80, v3, vm0, $0xb8;
	[tilespmem:$0x10400] =	vst v63  }
0x3e: {  	s29 =	simm.s32 $0x6C00  }
0x3f: {  	[tilespmem:s29], [sflag:$0x2] =	stream.indirect_vreg.gather [hbm4b:s5+s3], $0x80, v3, vm0, $0xb8;
	[tilespmem:$0x10400] =	vst v63  }
0x40: {  	s24 =	simm.s32 $0x7400  }
0x41: {  	[tilespmem:s24], [sflag:$0x2] =	stream.indirect_vreg.gather [hbm4b:s6+s3], $0x80, v3, vm0, $0xb8;
	[tilespmem:$0x10400] =	vst v63  }
0x42: {  	s25 =	simm.s32 $0x7C00  }
0x43: {  	[tilespmem:s25], [sflag:$0x2] =	stream.indirect_vreg.gather [hbm4b:s7+s3], $0x80, v3, vm0, $0xb8;
	[tilespmem:$0x10400] =	vst v63  }
0x44: {  	v3 =	vld [tilespmem:$0x20];
	_ =	sdelay $0x4  }
0x45: {  	v63 =	vshll.u32 v3, $0x3  }
0x46: {  	v3 =	vand.u32 $0x7, v3;
	v4 =	vand.u32 $0xFFFFFFC0, v63  }
0x47: {  	v3 =	vor.u32 v3, v4  }
0x48: {  	v4 =	vperm.xlane v3, v0;
	_ =	sdelay $0x1  }
0x49: {  	v4 =	vadd.s32 v1, v4;
	_ =	sdelay $0x4  }
0x4a: {  	[tilespmem:s26], [sflag:$0x3] =	stream.indirect_vreg.gather [hbm4b:s1+s3], $0x80, v4, vm0, $0xb8;
	[tilespmem:$0x10400] =	vst v63  }
0x4b: {  	s28 =	simm.s32 $0x8C00;
	v3 =	vperm.xlane v3, v2  }
0x4c: {  	[tilespmem:s28], [sflag:$0x3] =	stream.indirect_vreg.gather [hbm4b:s5+s3], $0x80, v4, vm0, $0xb8;
	[tilespmem:$0x10400] =	vst v63  }
0x4d: {  	s29 =	simm.s32 $0x9400;
	v3 =	vadd.s32 v1, v3  }
0x4e: {  	[tilespmem:s29], [sflag:$0x3] =	stream.indirect_vreg.gather [hbm4b:s6+s3], $0x80, v4, vm0, $0xb8;
	[tilespmem:$0x10400] =	vst v63  }
0x4f: {  	_ = 	snop  }
0x50: {  	[tilespmem:s30], [sflag:$0x3] =	stream.indirect_vreg.gather [hbm4b:s7+s3], $0x80, v4, vm0, $0xb8;
	[tilespmem:$0x10400] =	vst v63  }
0x51: {  	_ = 	snop  }
0x52: {  	[tilespmem:s31], [sflag:$0x3] =	stream.indirect_vreg.gather [hbm4b:s1+s3], $0x80, v3, vm0, $0xb8;
	[tilespmem:$0x10400] =	vst v63  }
0x53: {  	_ = 	snop  }
0x54: {  	[tilespmem:s2], [sflag:$0x3] =	stream.indirect_vreg.gather [hbm4b:s5+s3], $0x80, v3, vm0, $0xb8;
	[tilespmem:$0x10400] =	vst v63  }
0x55: {  	_ = 	snop  }
0x56: {  	[tilespmem:s0], [sflag:$0x3] =	stream.indirect_vreg.gather [hbm4b:s6+s3], $0x80, v3, vm0, $0xb8;
	[tilespmem:$0x10400] =	vst v63  }
0x57: {  	s23 =	simm.s32 $0x0;
	s24 =	simm.s32 $0x30  }
0x58: {  	[tilespmem:s11], [sflag:$0x3] =	stream.indirect_vreg.gather [hbm4b:s7+s3], $0x80, v3, vm0, $0xb8;
	[tilespmem:$0x10400] =	vst v63  }
.LBB2_2:
0x59: {  	p0 =	seq.s32 s23, $0x0  }
0x5a: {  	s25 =	simm.s32 @!p0 $0x8  }
0x5b: {  	_ =	swait.ge @!p0 [sflag:s25], $0x4000  }
0x5c: {  	s28 =	smov.u32 s24;
	[sflag:s25] =	ssyncset.done @!p0 $0x0  }
0x5d: {  	s28 =	simm.s32 @p0 $0x30;
	[sflag:s25] =	ssyncadd.s32 @!p0 $0xFFFFC000  }
0x5e: {  	v3 =	vld [tilespmem:s28+$0x0];
	_ =	sdelay $0x4  }
0x5f: {  	v4 =	vshll.u32 v3, $0x3  }
0x60: {  	v3 =	vand.u32 $0x7, v3;
	v4 =	vand.u32 $0xFFFFFFC0, v4  }
0x61: {  	v3 =	vor.u32 v3, v4  }
0x62: {  	v4 =	vperm.xlane v3, v0;
	_ =	sdelay $0x1  }
0x63: {  	v4 =	vadd.s32 v1, v4;
	_ =	sdelay $0x4  }
0x64: {  	[tilespmem:s12], [sflag:$0x4] =	stream.indirect_vreg.gather [hbm4b:s1+s3], $0x80, v4, vm0, $0xb8;
	[tilespmem:$0x10400] =	vst v63  }
0x65: {  	s29 =	rddreg [dreg:$0x5];
	v3 =	vperm.xlane v3, v2  }
0x66: {  	[tilespmem:s29], [sflag:$0x4] =	stream.indirect_vreg.gather [hbm4b:s5+s3], $0x80, v4, vm0, $0xb8;
	[tilespmem:$0x10400] =	vst v63  }
0x67: {  	s28 =	rddreg [dreg:$0x6];
	v3 =	vadd.s32 v1, v3  }
0x68: {  	[tilespmem:s28], [sflag:$0x4] =	stream.indirect_vreg.gather [hbm4b:s6+s3], $0x80, v4, vm0, $0xb8;
	[tilespmem:$0x10400] =	vst v63  }
0x69: {  	s29 =	rddreg [dreg:$0x7]  }
0x6a: {  	[tilespmem:s29], [sflag:$0x4] =	stream.indirect_vreg.gather [hbm4b:s7+s3], $0x80, v4, vm0, $0xb8;
	[tilespmem:$0x10400] =	vst v63  }
0x6b: {  	s28 =	rddreg [dreg:$0x8]  }
0x6c: {  	[tilespmem:s28], [sflag:$0x4] =	stream.indirect_vreg.gather [hbm4b:s1+s3], $0x80, v3, vm0, $0xb8;
	[tilespmem:$0x10400] =	vst v63  }
0x6d: {  	s29 =	rddreg [dreg:$0x9]  }
0x6e: {  	[tilespmem:s29], [sflag:$0x4] =	stream.indirect_vreg.gather [hbm4b:s5+s3], $0x80, v3, vm0, $0xb8;
	[tilespmem:$0x10400] =	vst v63  }
0x6f: {  	s28 =	rddreg [dreg:$0xa]  }
0x70: {  	[tilespmem:s28], [sflag:$0x4] =	stream.indirect_vreg.gather [hbm4b:s6+s3], $0x80, v3, vm0, $0xb8;
	[tilespmem:$0x10400] =	vst v63  }
0x71: {  	s29 =	rddreg [dreg:$0xb]  }
0x72: {  	[tilespmem:s29], [sflag:$0x4] =	stream.indirect_vreg.gather [hbm4b:s7+s3], $0x80, v3, vm0, $0xb8;
	[tilespmem:$0x10400] =	vst v63  }
0x73: {  	_ =	swait.ge [sflag:s13], $0x4000  }
0x74: {  	p0 =	seq.s32 s23, $0x1E000;
	s29 =	rddreg [dreg:$0x4];
	[sflag:s13] =	ssyncset.done $0x0  }
0x75: {  	s28 =	simm.s32 @!p0 $0x5;
	[sflag:s13] =	ssyncadd.s32 $0xFFFFC000;
	s25 =	sadd.s32 s23, s29  }
0x76: {  	[hbm4b:s25+s3] =	stream.linear.scatter [tilespmem:s10], [sflag:$0x5], $0x4000, $0x38;
	[tilespmem:$0x10400] =	vst v63  }
0x77: {  	_ =	swait.ge @!p0 [sflag:s28], $0x4000  }
0x78: {  	[sflag:s28] =	ssyncset.done @!p0 $0x0  }
0x79: {  	[sflag:s28] =	ssyncadd.s32 @!p0 $0xFFFFC000  }
0x7a: {  	v3 =	vld @!p0 [tilespmem:s24+$0x10];
	_ =	sdelay $0x4  }
0x7b: {  	v4 =	vshll.u32 @!p0 v3, $0x3  }
0x7c: {  	v5 =	vlaneseq.u32 @!p0;
	v3 =	vand.u32 @!p0 $0x7, v3;
	v4 =	vand.u32 @!p0 $0xFFFFFFC0, v4  }
0x7d: {  	v6 =	vshrl.u32 @!p0 v5, $0x3;
	v3 =	vor.u32 @!p0 v3, v4;
	v4 =	vand.u32 @!p0 $0x7, v5  }
0x7e: {  	v6 =	vmul.u32 @!p0 $0x8, v6;
	v7 =	vperm.xlane @!p0 v3, v4;
	_ =	sdelay $0x1  }
0x7f: {  	v7 =	vadd.s32 @!p0 v6, v7;
	_ =	sdelay $0x3  }
0x80: {  	vm1 =	vmmov @!p0 $0xffff;
	s29 =	simm.s32 @!p0 $0x400;
	s28 =	simm.s32 @!p0 $0x0  }
0x81: {  	v5 =	vor.u32 @!p0 $0x8, v5;
	[tilespmem:s29], [sflag:$0x1] =	stream.indirect_vreg.gather @!p0 [hbm4b:s1+s28], $0x80, v7, vm1, $0xb8;
	[tilespmem:$0x10400] =	vst v63  }
0x82: {  	v3 =	vperm.xlane @!p0 v3, v5;
	s29 =	simm.s32 @!p0 $0xC00  }
0x83: {  	[tilespmem:s29], [sflag:$0x1] =	stream.indirect_vreg.gather @!p0 [hbm4b:s5+s28], $0x80, v7, vm1, $0xb8;
	[tilespmem:$0x10400] =	vst v63  }
0x84: {  	v3 =	vadd.s32 @!p0 v6, v3;
	s29 =	simm.s32 @!p0 $0x1400  }
0x85: {  	[tilespmem:s29], [sflag:$0x1] =	stream.indirect_vreg.gather @!p0 [hbm4b:s6+s28], $0x80, v7, vm1, $0xb8;
	[tilespmem:$0x10400] =	vst v63  }
0x86: {  	s29 =	simm.s32 @!p0 $0x1C00  }
0x87: {  	[tilespmem:s29], [sflag:$0x1] =	stream.indirect_vreg.gather @!p0 [hbm4b:s7+s28], $0x80, v7, vm1, $0xb8;
	[tilespmem:$0x10400] =	vst v63  }
0x88: {  	s29 =	simm.s32 @!p0 $0x2400  }
0x89: {  	[tilespmem:s29], [sflag:$0x1] =	stream.indirect_vreg.gather @!p0 [hbm4b:s1+s28], $0x80, v3, vm1, $0xb8;
	[tilespmem:$0x10400] =	vst v63  }
0x8a: {  	s29 =	simm.s32 @!p0 $0x2C00  }
0x8b: {  	[tilespmem:s29], [sflag:$0x1] =	stream.indirect_vreg.gather @!p0 [hbm4b:s5+s28], $0x80, v3, vm1, $0xb8;
	[tilespmem:$0x10400] =	vst v63  }
0x8c: {  	s29 =	simm.s32 @!p0 $0x3400  }
0x8d: {  	[tilespmem:s29], [sflag:$0x1] =	stream.indirect_vreg.gather @!p0 [hbm4b:s6+s28], $0x80, v3, vm1, $0xb8;
	[tilespmem:$0x10400] =	vst v63  }
0x8e: {  	s29 =	simm.s32 @!p0 $0x3C00  }
0x8f: {  	[tilespmem:s29], [sflag:$0x1] =	stream.indirect_vreg.gather @!p0 [hbm4b:s7+s28], $0x80, v3, vm1, $0xb8;
	[tilespmem:$0x10400] =	vst v63  }
0x90: {  	_ =	swait.ge [sflag:s14], $0x4000  }
0x91: {  	[sflag:s14] =	ssyncset.done $0x0  }
0x92: {  	s29 =	sadd.s32 $0x800, s25;
	[sflag:s14] =	ssyncadd.s32 $0xFFFFC000  }
0x93: {  	[hbm4b:s29+s3] =	stream.linear.scatter [tilespmem:s18], [sflag:$0x6], $0x4000, $0x38;
	[tilespmem:$0x10400] =	vst v63  }
0x94: {  	s29 =	simm.s32 @!p0 $0x6  }
0x95: {  	_ =	swait.ge @!p0 [sflag:s29], $0x4000  }
0x96: {  	[sflag:s29] =	ssyncset.done @!p0 $0x0  }
0x97: {  	[sflag:s29] =	ssyncadd.s32 @!p0 $0xFFFFC000  }
0x98: {  	v3 =	vld @!p0 [tilespmem:s24+$0x20];
	_ =	sdelay $0x4  }
0x99: {  	v7 =	vshll.u32 @!p0 v3, $0x3  }
0x9a: {  	v3 =	vand.u32 @!p0 $0x7, v3;
	v7 =	vand.u32 @!p0 $0xFFFFFFC0, v7  }
0x9b: {  	v3 =	vor.u32 @!p0 v3, v7  }
0x9c: {  	v7 =	vperm.xlane @!p0 v3, v4;
	_ =	sdelay $0x1  }
0x9d: {  	v7 =	vadd.s32 @!p0 v6, v7;
	_ =	sdelay $0x3  }
0x9e: {  	s29 =	simm.s32 @!p0 $0x4400  }
0x9f: {  	[tilespmem:s29], [sflag:$0x2] =	stream.indirect_vreg.gather @!p0 [hbm4b:s1+s28], $0x80, v7, vm1, $0xb8;
	[tilespmem:$0x10400] =	vst v63  }
0xa0: {  	v3 =	vperm.xlane @!p0 v3, v5;
	s29 =	simm.s32 @!p0 $0x4C00  }
0xa1: {  	[tilespmem:s29], [sflag:$0x2] =	stream.indirect_vreg.gather @!p0 [hbm4b:s5+s28], $0x80, v7, vm1, $0xb8;
	[tilespmem:$0x10400] =	vst v63  }
0xa2: {  	v3 =	vadd.s32 @!p0 v6, v3;
	s29 =	simm.s32 @!p0 $0x5400  }
0xa3: {  	[tilespmem:s29], [sflag:$0x2] =	stream.indirect_vreg.gather @!p0 [hbm4b:s6+s28], $0x80, v7, vm1, $0xb8;
	[tilespmem:$0x10400] =	vst v63  }
0xa4: {  	s29 =	simm.s32 @!p0 $0x5C00  }
0xa5: {  	[tilespmem:s29], [sflag:$0x2] =	stream.indirect_vreg.gather @!p0 [hbm4b:s7+s28], $0x80, v7, vm1, $0xb8;
	[tilespmem:$0x10400] =	vst v63  }
0xa6: {  	s29 =	simm.s32 @!p0 $0x6400  }
0xa7: {  	[tilespmem:s29], [sflag:$0x2] =	stream.indirect_vreg.gather @!p0 [hbm4b:s1+s28], $0x80, v3, vm1, $0xb8;
	[tilespmem:$0x10400] =	vst v63  }
0xa8: {  	s29 =	simm.s32 @!p0 $0x6C00  }
0xa9: {  	[tilespmem:s29], [sflag:$0x2] =	stream.indirect_vreg.gather @!p0 [hbm4b:s5+s28], $0x80, v3, vm1, $0xb8;
	[tilespmem:$0x10400] =	vst v63  }
0xaa: {  	s29 =	simm.s32 @!p0 $0x7400  }
0xab: {  	[tilespmem:s29], [sflag:$0x2] =	stream.indirect_vreg.gather @!p0 [hbm4b:s6+s28], $0x80, v3, vm1, $0xb8;
	[tilespmem:$0x10400] =	vst v63  }
0xac: {  	s29 =	simm.s32 @!p0 $0x7C00  }
0xad: {  	[tilespmem:s29], [sflag:$0x2] =	stream.indirect_vreg.gather @!p0 [hbm4b:s7+s28], $0x80, v3, vm1, $0xb8;
	[tilespmem:$0x10400] =	vst v63  }
0xae: {  	_ =	swait.ge [sflag:s15], $0x4000  }
0xaf: {  	[sflag:s15] =	ssyncset.done $0x0  }
0xb0: {  	s29 =	sadd.s32 $0x1000, s25;
	[sflag:s15] =	ssyncadd.s32 $0xFFFFC000  }
0xb1: {  	[hbm4b:s29+s3] =	stream.linear.scatter [tilespmem:s26], [sflag:$0x7], $0x4000, $0x38;
	[tilespmem:$0x10400] =	vst v63  }
0xb2: {  	s29 =	simm.s32 @!p0 $0x7  }
0xb3: {  	_ =	swait.ge @!p0 [sflag:s29], $0x4000  }
0xb4: {  	[sflag:s29] =	ssyncset.done @!p0 $0x0  }
0xb5: {  	[sflag:s29] =	ssyncadd.s32 @!p0 $0xFFFFC000  }
0xb6: {  	v3 =	vld @!p0 [tilespmem:s24+$0x30];
	_ =	sdelay $0x4  }
0xb7: {  	v7 =	vshll.u32 @!p0 v3, $0x3  }
0xb8: {  	v3 =	vand.u32 @!p0 $0x7, v3;
	v7 =	vand.u32 @!p0 $0xFFFFFFC0, v7  }
0xb9: {  	v3 =	vor.u32 @!p0 v3, v7  }
0xba: {  	v4 =	vperm.xlane @!p0 v3, v4;
	_ =	sdelay $0x1  }
0xbb: {  	v4 =	vadd.s32 @!p0 v6, v4;
	_ =	sdelay $0x3  }
0xbc: {  	s29 =	simm.s32 @!p0 $0x8400  }
0xbd: {  	[tilespmem:s29], [sflag:$0x3] =	stream.indirect_vreg.gather @!p0 [hbm4b:s1+s28], $0x80, v4, vm1, $0xb8;
	[tilespmem:$0x10400] =	vst v63  }
0xbe: {  	v3 =	vperm.xlane @!p0 v3, v5;
	s29 =	simm.s32 @!p0 $0x8C00  }
0xbf: {  	[tilespmem:s29], [sflag:$0x3] =	stream.indirect_vreg.gather @!p0 [hbm4b:s5+s28], $0x80, v4, vm1, $0xb8;
	[tilespmem:$0x10400] =	vst v63  }
0xc0: {  	v3 =	vadd.s32 @!p0 v6, v3;
	s29 =	simm.s32 @!p0 $0x9400  }
0xc1: {  	[tilespmem:s29], [sflag:$0x3] =	stream.indirect_vreg.gather @!p0 [hbm4b:s6+s28], $0x80, v4, vm1, $0xb8;
	[tilespmem:$0x10400] =	vst v63  }
0xc2: {  	s29 =	simm.s32 @!p0 $0x9C00  }
0xc3: {  	[tilespmem:s29], [sflag:$0x3] =	stream.indirect_vreg.gather @!p0 [hbm4b:s7+s28], $0x80, v4, vm1, $0xb8;
	[tilespmem:$0x10400] =	vst v63  }
0xc4: {  	s29 =	simm.s32 @!p0 $0xA400  }
0xc5: {  	[tilespmem:s29], [sflag:$0x3] =	stream.indirect_vreg.gather @!p0 [hbm4b:s1+s28], $0x80, v3, vm1, $0xb8;
	[tilespmem:$0x10400] =	vst v63  }
0xc6: {  	s29 =	simm.s32 @!p0 $0xAC00  }
0xc7: {  	[tilespmem:s29], [sflag:$0x3] =	stream.indirect_vreg.gather @!p0 [hbm4b:s5+s28], $0x80, v3, vm1, $0xb8;
	[tilespmem:$0x10400] =	vst v63  }
0xc8: {  	s29 =	simm.s32 @!p0 $0xB400  }
0xc9: {  	[tilespmem:s29], [sflag:$0x3] =	stream.indirect_vreg.gather @!p0 [hbm4b:s6+s28], $0x80, v3, vm1, $0xb8;
	[tilespmem:$0x10400] =	vst v63  }
0xca: {  	s23 =	sadd.s32 $0x2000, s23;
	s29 =	simm.s32 @!p0 $0xBC00  }
0xcb: {  	[tilespmem:s29], [sflag:$0x3] =	stream.indirect_vreg.gather @!p0 [hbm4b:s7+s28], $0x80, v3, vm1, $0xb8;
	[tilespmem:$0x10400] =	vst v63  }
0xcc: {  	p0 =	sne.s32 s23, $0x20000  }
.Ltmp0:
0xcd: {  	_ = 	snop;
	(pc) =	sbr.rel @p0 .LBB2_2-.Ltmp0, $4  }
0xce: {  	_ =	swait.ge [sflag:s16], $0x4000  }
0xcf: {  	[sflag:s16] =	ssyncset.done $0x0  }
0xd0: {  	s25 =	sadd.s32 $0x1800, s25;
	s24 =	sadd.s32 $0x40, s24;
	[sflag:s16] =	ssyncadd.s32 $0xFFFFC000  }
0xd1: {  	[hbm4b:s25+s3] =	stream.linear.scatter [tilespmem:s12], [sflag:$0x8], $0x4000, $0x38;
	[tilespmem:$0x10400] =	vst v63  }
0xd2: {  	_ =	swait.ge [sflag:s17], $0x4000  }
0xd3: {  	[sflag:s17] =	ssyncset.done $0x0  }
0xd4: {  	[sflag:s17] =	ssyncadd.s32 $0xFFFFC000  }
0xd5: {  	_ =	swait.ge [sflag:s19], $0x4000  }
0xd6: {  	[sflag:s19] =	ssyncset.done $0x0  }
0xd7: {  	s22 =	sadd.s32 $0x1, s22;
	[sflag:s19] =	ssyncadd.s32 $0xFFFFC000  }
0xd8: {  	p0 =	sne.s32 s22, s8;
	_ =	swait.ge [sflag:s20], $0x4000  }
.Ltmp1:
0xd9: {  	[sflag:s20] =	ssyncset.done $0x0;
	(pc) =	sbr.rel @p0 .LBB2_1-.Ltmp1, $4  }
0xda: {  	[sflag:s20] =	ssyncadd.s32 $0xFFFFC000  }
0xdb: {  	_ =	swait.ge [sflag:s21], $0x4000  }
0xdc: {  	[sflag:s21] =	ssyncset.done $0x0  }
0xdd: {  	[sflag:s21] =	ssyncadd.s32 $0xFFFFC000  }
0xde: {  	_ =	sfence.sel $0x180000  }
0xdf: {  	[bflag:$0x0] =	sbarrier.arrive $0xFFFF  }
0xe0: {  	_ =	strace $0x90000047  }
0xe1: {  	s0 =	stileid.u32;
	[bflag:$0x2] =	sbarrier.arrive $0xFFFF  }
0xe2: {  	p0 =	sne.s32 s0, $0x0;
	s0 =	rddreg [dreg:$0x3]  }
0xe3: {  	s0 =	sadd.s32 @!p0 $0x100000, s0  }
0xe4: {  	[sflag:s0] =	ssyncadd.tile.s32 @!p0 $0x1;
	_ =	shalt  }
.Lfunc_end2:
_tile_overlayer_lowered:
.L_overlay_start_2:
0xe5: {  	(tag) =	ssettag $0x2  }
0xe6: {  	s0 =	rddreg [dreg:$0x0];
	s2 =	stileid.u32  }
0xe7: {  	s1 =	rddreg [dreg:$0x1];
	p0 =	sne.s32 s2, $0x0  }
0xe8: {  	s3 =	rddreg [dreg:$0x2];
	[bflag:$0x3] =	sbarrier.arrive $0xFFFF;
	s2 =	simm.s32 @!p0 $0x1C09  }
0xe9: {  	[timem:s3], [sflag:s2] =	dma.local @!p0 [hbm:s0], s1  }
0xea: {  	s0 =	simm.s32 @!p0 $0x9  }
0xeb: {  	_ =	swait.ge @!p0 [sflag:s0], s1  }
0xec: {  	s1 =	ssub.s32 @!p0 $0x0, s1;
	[sflag:s0] =	ssyncset.done @!p0 $0x0  }
0xed: {  	[sflag:s0] =	ssyncadd.s32 @!p0 s1  }
0xee: {  	[bflag:$0x3] =	sbarrier.arrive $0xFFFF  }
0xef: {  	_ =	shalt  }

</sc_bundles>
